<compile_context>
chip_gen: v7x
topology: tpu7x:2x2x1
jax: 0.10.2.dev20260603
libtpu: 0.0.44.dev20260713+nightly
codegen_flags: <defaults>
</compile_context>

<pallas_src>
import functools

import jax
import jax.numpy as jnp
from jax import lax
from jax.experimental import pallas as pl
from jax.experimental.pallas import tpu as pltpu
from jax.experimental.pallas import tpu_sc as plsc

NW = 32
CB = 80
KC = 5
GB = CB * KC


def _make_sc_gather(N, E, H):
    EW = E // NW
    NCH = EW // CB
    NG = EW // GB
    mesh = plsc.VectorSubcoreMesh(core_axis_name="c", subcore_axis_name="s")

    @functools.partial(
        pl.kernel,
        out_type=(
            jax.ShapeDtypeStruct((E, H), jnp.float32),
            jax.ShapeDtypeStruct((E, H), jnp.float32),
        ),
        mesh=mesh,
        scratch_types=[
            pltpu.VMEM((NCH, CB), jnp.int32),
            pltpu.VMEM((NCH, CB), jnp.int32),
            pltpu.VMEM((2, GB, H), jnp.float32),
            pltpu.VMEM((2, GB, H), jnp.float32),
            pltpu.SemaphoreType.DMA((2,)),
            pltpu.SemaphoreType.DMA((2,)),
            pltpu.SemaphoreType.DMA((2,)),
            pltpu.SemaphoreType.DMA((2,)),
        ],
        compiler_params=pltpu.CompilerParams(use_tc_tiling_on_sc=False),
    )
    def gather_k(ps_hbm, pd_hbm, src_hbm, dst_hbm, gs_hbm, gd_hbm,
                 idx_s, idx_d, rows_s, rows_d, gsem_s, gsem_d, wsem_s, wsem_d):
        wid = lax.axis_index("s") * 2 + lax.axis_index("c")
        base = wid * EW
        pltpu.sync_copy(src_hbm.at[pl.ds(wid * NCH, NCH)], idx_s)
        pltpu.sync_copy(dst_hbm.at[pl.ds(wid * NCH, NCH)], idx_d)

        def fire(g, buf):
            for j in range(KC):
                c = g * KC + j
                sl = pl.ds(j * CB, CB)
                pltpu.async_copy(ps_hbm.at[idx_s.at[c]],
                                 rows_s.at[buf].at[sl], gsem_s.at[buf])
                pltpu.async_copy(pd_hbm.at[idx_d.at[c]],
                                 rows_d.at[buf].at[sl], gsem_d.at[buf])

        def drain_gathers(buf):
            pltpu.make_async_copy(ps_hbm.at[pl.ds(0, GB)],
                                  rows_s.at[buf], gsem_s.at[buf]).wait()
            pltpu.make_async_copy(pd_hbm.at[pl.ds(0, GB)],
                                  rows_d.at[buf], gsem_d.at[buf]).wait()

        def fire_writes(g, buf):
            out = pl.ds(base + g * GB, GB)
            pltpu.async_copy(rows_s.at[buf], gs_hbm.at[out], wsem_s.at[buf])
            pltpu.async_copy(rows_d.at[buf], gd_hbm.at[out], wsem_d.at[buf])

        def drain_writes(buf):
            pltpu.make_async_copy(rows_s.at[buf], gs_hbm.at[pl.ds(0, GB)],
                                  wsem_s.at[buf]).wait()
            pltpu.make_async_copy(rows_d.at[buf], gd_hbm.at[pl.ds(0, GB)],
                                  wsem_d.at[buf]).wait()

        fire(0, 0)

        def it_body(it, carry):
            buf = lax.rem(it, 2)
            pbuf = 1 - buf

            @pl.when(it >= 2)
            def _():
                drain_writes(buf)

            fire(it, buf)
            drain_gathers(pbuf)
            fire_writes(it - 1, pbuf)
            return carry

        lax.fori_loop(1, NG, it_body, 0)
        last = (NG - 1) % 2
        drain_gathers(last)
        fire_writes(NG - 1, last)
        drain_writes(1 - last)
        drain_writes(last)

    return gather_k


def _make_sc_scatter(N, E, DE):
    EW = E // NW
    NCH = EW // CB
    mesh = plsc.VectorSubcoreMesh(core_axis_name="c", subcore_axis_name="s")

    @functools.partial(
        pl.kernel,
        out_type=jax.ShapeDtypeStruct((2, N, DE), jnp.float32),
        mesh=mesh,
        scratch_types=[
            pltpu.VMEM_SHARED((N, DE), jnp.float32),
            pltpu.VMEM((NCH, CB), jnp.int32),
            pltpu.VMEM((EW, DE), jnp.float32),
            pltpu.SemaphoreType.DMA,
        ],
        compiler_params=pltpu.CompilerParams(use_tc_tiling_on_sc=False),
    )
    def scatter_k(ea_hbm, dst_hbm, zeros_hbm, agg_hbm, shared, idx, rows, sem):
        cid = lax.axis_index("c")
        sid = lax.axis_index("s")
        wid = sid * 2 + cid

        @pl.when(sid == 0)
        def _():
            pltpu.sync_copy(zeros_hbm, shared)

        pltpu.sync_copy(dst_hbm.at[pl.ds(wid * NCH, NCH)], idx)
        pltpu.sync_copy(ea_hbm.at[pl.ds(wid * EW, EW)], rows)
        plsc.subcore_barrier()

        def onechunk(c, carry):
            pltpu.async_copy(rows.at[pl.ds(c * CB, CB)],
                             shared.at[idx.at[c]], sem, add=True)
            return carry

        lax.fori_loop(0, NCH, onechunk, 0)
        pltpu.make_async_copy(ea_hbm.at[pl.ds(0, EW)], rows, sem).wait()
        plsc.subcore_barrier()

        @pl.when(sid == 0)
        def _():
            pltpu.sync_copy(shared, agg_hbm.at[cid])

    return scatter_k


def _proj_call(x, W1s, W1d, NB):
    N, DF = x.shape
    H = W1s.shape[1]

    def body(x_ref, ws_ref, wd_ref, ps_ref, pd_ref):
        xv = x_ref[...]
        ps_ref[...] = jnp.dot(xv, ws_ref[...], preferred_element_type=jnp.float32)
        pd_ref[...] = jnp.dot(xv, wd_ref[...], preferred_element_type=jnp.float32)

    return pl.pallas_call(
        body,
        grid=(N // NB,),
        in_specs=[
            pl.BlockSpec((NB, DF), lambda i: (i, 0)),
            pl.BlockSpec((DF, H), lambda i: (0, 0)),
            pl.BlockSpec((DF, H), lambda i: (0, 0)),
        ],
        out_specs=[
            pl.BlockSpec((NB, H), lambda i: (i, 0)),
            pl.BlockSpec((NB, H), lambda i: (i, 0)),
        ],
        out_shape=[
            jax.ShapeDtypeStruct((N, H), jnp.float32),
            jax.ShapeDtypeStruct((N, H), jnp.float32),
        ],
    )(x, W1s, W1d)


def _edge_call(gs4, gd4, ea, W1e_bd, be1_4, We2_bd, be2_4, EB):
    E4, HP = gs4.shape
    DP4 = ea.shape[1]
    EB4 = EB // 4

    def body(gs_ref, gd_ref, ea_ref, w1_ref, b1_ref, w2_ref, b2_ref, out_ref):
        ea4 = ea_ref[...]
        pre = (gs_ref[...] + gd_ref[...] + b1_ref[...]
               + jnp.dot(ea4, w1_ref[...], preferred_element_type=jnp.float32))
        h = jnp.maximum(pre, 0.0)
        out_ref[...] = (jnp.dot(h, w2_ref[...], preferred_element_type=jnp.float32)
                        + b2_ref[...] + ea4)

    return pl.pallas_call(
        body,
        grid=(E4 // EB4,),
        in_specs=[
            pl.BlockSpec((EB4, HP), lambda i: (i, 0)),
            pl.BlockSpec((EB4, HP), lambda i: (i, 0)),
            pl.BlockSpec((EB4, DP4), lambda i: (i, 0)),
            pl.BlockSpec((DP4, HP), lambda i: (0, 0)),
            pl.BlockSpec((1, HP), lambda i: (0, 0)),
            pl.BlockSpec((HP, DP4), lambda i: (0, 0)),
            pl.BlockSpec((1, DP4), lambda i: (0, 0)),
        ],
        out_specs=pl.BlockSpec((EB4, DP4), lambda i: (i, 0)),
        out_shape=jax.ShapeDtypeStruct((E4, DP4), jnp.float32),
    )(gs4, gd4, ea, W1e_bd, be1_4, We2_bd, be2_4)


def _node_call(x, aggp, Wn1x, Wn1a, bn1, Wn2, bn2, W1s, W1d, NB):
    N, DF = x.shape
    H = Wn1x.shape[1]
    DE = Wn1a.shape[0]

    def body(x_ref, a0_ref, a1_ref, w1x_ref, w1a_ref, b1_ref, w2_ref, b2_ref,
             ws_ref, wd_ref, xo_ref, ps_ref, pd_ref):
        xv = x_ref[...]
        agg = a0_ref[...] + a1_ref[...]
        pre = (jnp.dot(xv, w1x_ref[...], preferred_element_type=jnp.float32)
               + jnp.dot(agg, w1a_ref[...], preferred_element_type=jnp.float32)
               + b1_ref[...])
        hn = jnp.maximum(pre, 0.0)
        xn = (jnp.dot(hn, w2_ref[...], preferred_element_type=jnp.float32)
              + b2_ref[...] + xv)
        xo_ref[...] = xn
        ps_ref[...] = jnp.dot(xn, ws_ref[...], preferred_element_type=jnp.float32)
        pd_ref[...] = jnp.dot(xn, wd_ref[...], preferred_element_type=jnp.float32)

    return pl.pallas_call(
        body,
        grid=(N // NB,),
        in_specs=[
            pl.BlockSpec((NB, DF), lambda i: (i, 0)),
            pl.BlockSpec((NB, DE), lambda i: (i, 0)),
            pl.BlockSpec((NB, DE), lambda i: (i, 0)),
            pl.BlockSpec((DF, H), lambda i: (0, 0)),
            pl.BlockSpec((DE, H), lambda i: (0, 0)),
            pl.BlockSpec((1, H), lambda i: (0, 0)),
            pl.BlockSpec((H, DF), lambda i: (0, 0)),
            pl.BlockSpec((1, DF), lambda i: (0, 0)),
            pl.BlockSpec((DF, H), lambda i: (0, 0)),
            pl.BlockSpec((DF, H), lambda i: (0, 0)),
        ],
        out_specs=[
            pl.BlockSpec((NB, DF), lambda i: (i, 0)),
            pl.BlockSpec((NB, H), lambda i: (i, 0)),
            pl.BlockSpec((NB, H), lambda i: (i, 0)),
        ],
        out_shape=[
            jax.ShapeDtypeStruct((N, DF), jnp.float32),
            jax.ShapeDtypeStruct((N, H), jnp.float32),
            jax.ShapeDtypeStruct((N, H), jnp.float32),
        ],
    )(x, aggp[0], aggp[1], Wn1x, Wn1a, bn1, Wn2, bn2, W1s, W1d)


def kernel(x, edge_index, edge_attr, We1, be1, We2, be2, Wn1, bn1, Wn2, bn2):
    N, DF = x.shape
    E = edge_index.shape[1]
    DE = edge_attr.shape[1]
    H = We1.shape[1]
    ROUNDS = 16

    DP = 8

    src = edge_index[0].reshape(E // CB, CB)
    dst = edge_index[1].reshape(E // CB, CB)
    W1s = We1[0:DF]
    W1d = We1[DF:2 * DF]
    W1e = jnp.pad(We1[2 * DF:], ((0, DP - DE), (0, 0)))
    Wn1x = Wn1[0:DF]
    Wn1a = jnp.pad(Wn1[DF:], ((0, DP - DE), (0, 0)))
    We2p = jnp.pad(We2, ((0, 0), (0, DP - DE)))
    be1_2 = be1.reshape(1, H)
    be2_2 = jnp.pad(be2.reshape(1, DE), ((0, 0), (0, DP - DE)))
    bn1_2 = bn1.reshape(1, H)
    bn2_2 = bn2.reshape(1, DF)
    eap = jnp.pad(edge_attr, ((0, 0), (0, DP - DE)))
    zeros = jnp.zeros((N, DP), jnp.float32)
    W1e_bd = jax.scipy.linalg.block_diag(W1e, W1e, W1e, W1e)
    We2_bd = jax.scipy.linalg.block_diag(We2p, We2p, We2p, We2p)
    be1_4 = jnp.tile(be1_2, (1, 4))
    be2_4 = jnp.tile(be2_2, (1, 4))

    NB = 2000
    EB = 16000

    gather_k = _make_sc_gather(N, E, H)
    scatter_k = _make_sc_scatter(N, E, DP)

    ps, pd = _proj_call(x, W1s, W1d, NB)

    def round_body(r, carry):
        xc, ea4, psc, pdc = carry
        gs, gd = gather_k(psc, pdc, src, dst)
        gs4 = gs.reshape(E // 4, 4 * H)
        gd4 = gd.reshape(E // 4, 4 * H)
        ea4n = _edge_call(gs4, gd4, ea4, W1e_bd, be1_4, We2_bd, be2_4, EB)
        aggp = scatter_k(ea4n.reshape(E, DP), dst, zeros)
        xn, psn, pdn = _node_call(xc, aggp, Wn1x, Wn1a, bn1_2, Wn2, bn2_2,
                                  W1s, W1d, NB)
        return (xn, ea4n, psn, pdn)

    xf, _, _, _ = lax.fori_loop(0, ROUNDS, round_body,
                                (x, eap.reshape(E // 4, 4 * DP), ps, pd))
    return xf

# --- scband reference (transcript-rebuilt; emitter-appended) ---
"""Pipeline reference for scband-processor-23493471109945 (READ-ONLY COPY).

The authoritative reference and input builder live on the scoring server;
editing this copy changes nothing except your own understanding.
"""

import jax, jax.numpy as jnp
import numpy as np

N = 10000
E = 320000
DF = 128
DE = 4
H = 32
ROUNDS = 16


def setup_inputs(seed: int = 0) -> dict:
    key = jax.random.key(seed)
    ks = jax.random.split(key, 7)
    x = jax.random.normal(ks[0], (N, DF), dtype=jnp.float32)
    edge_index = jax.random.randint(ks[1], (2, E), 0, N, dtype=jnp.int32)
    edge_attr = jax.random.normal(ks[2], (E, DE), dtype=jnp.float32)
    We1 = jax.random.normal(ks[3], (2 * DF + DE, H), dtype=jnp.float32) * (1.0 / np.sqrt(2 * DF + DE))
    be1 = jnp.zeros((H,), dtype=jnp.float32)
    We2 = jax.random.normal(ks[4], (H, DE), dtype=jnp.float32) * (1.0 / np.sqrt(H))
    be2 = jnp.zeros((DE,), dtype=jnp.float32)
    Wn1 = jax.random.normal(ks[5], (DF + DE, H), dtype=jnp.float32) * (1.0 / np.sqrt(DF + DE))
    bn1 = jnp.zeros((H,), dtype=jnp.float32)
    Wn2 = jax.random.normal(ks[6], (H, DF), dtype=jnp.float32) * (1.0 / np.sqrt(H))
    bn2 = jnp.zeros((DF,), dtype=jnp.float32)
    return {"x": x, "edge_index": edge_index, "edge_attr": edge_attr,
            "We1": We1, "be1": be1, "We2": We2, "be2": be2,
            "Wn1": Wn1, "bn1": bn1, "Wn2": Wn2, "bn2": bn2}


def reference(x, edge_index, edge_attr, We1, be1, We2, be2, Wn1, bn1, Wn2, bn2):
    # Faithful translation of Processor.forward. Note: the torch ModuleList
    # replicates the SAME module object num_rounds times, so all rounds share
    # one set of edge-MLP weights and one set of node-MLP weights.
    src = edge_index[0]
    dst = edge_index[1]
    for _ in range(ROUNDS):
        residual_edge = edge_attr
        e_in = jnp.concatenate([x[src], x[dst], edge_attr], axis=1)
        h = jax.nn.relu(e_in @ We1 + be1)
        edge_attr = (h @ We2 + be2) + residual_edge
        agg_edge_features = jax.ops.segment_sum(edge_attr, dst, num_segments=x.shape[0])
        residual_node = x
        n_in = jnp.concatenate([x, agg_edge_features], axis=1)
        hn = jax.nn.relu(n_in @ Wn1 + bn1)
        x = (hn @ Wn2 + bn2) + residual_node
    return x

if __name__ == "__main__":
    import jax
    _d = setup_inputs()
    print(jax.jit(kernel)(*tuple(_d.values())))

</pallas_src>

<mosaic_0001>
#map = affine_map<(d0, d1) -> (0, 0)>
module attributes {stable_mosaic.version = 14 : i64} {
  func.func @gather_k(%arg0: i32, %arg1: i32, %arg2: memref<10000x32xf32, #tpu.memory_space<hbm>>, %arg3: memref<10000x32xf32, #tpu.memory_space<hbm>>, %arg4: memref<4000x80xi32, #tpu.memory_space<hbm>>, %arg5: memref<4000x80xi32, #tpu.memory_space<hbm>>, %arg6: memref<320000x32xf32, #tpu.memory_space<hbm>>, %arg7: memref<320000x32xf32, #tpu.memory_space<hbm>>, %arg8: memref<125x80xi32, #tpu.memory_space<vmem>>, %arg9: memref<125x80xi32, #tpu.memory_space<vmem>>, %arg10: memref<2x400x32xf32, #tpu.memory_space<vmem>>, %arg11: memref<2x400x32xf32, #tpu.memory_space<vmem>>, %arg12: memref<2x!tpu.dma_semaphore, #tpu.memory_space<semaphore_mem>>, %arg13: memref<2x!tpu.dma_semaphore, #tpu.memory_space<semaphore_mem>>, %arg14: memref<2x!tpu.dma_semaphore, #tpu.memory_space<semaphore_mem>>, %arg15: memref<2x!tpu.dma_semaphore, #tpu.memory_space<semaphore_mem>>) attributes {dimension_semantics = [#tpu.dimension_semantics<core_parallel>, #tpu.dimension_semantics<subcore_parallel>], iteration_bounds = array<i64: 2, 16>, scalar_prefetch = 0 : i64, scratch_operands = 8 : i64, tpu.core_type = #tpu.core_type<sc_vector_subcore>, window_params = [{transform_indices = #map}, {transform_indices = #map}, {transform_indices = #map}, {transform_indices = #map}, {transform_indices = #map}, {transform_indices = #map}]} {
    %mul3A = arith.constant 2 : i32
    %mul3A_0 = arith.muli %arg1, %mul3A : i32
    %add3A = arith.addi %mul3A_0, %arg0 : i32
    %mul3A_1 = arith.constant 10000 : i32
    %mul3A_2 = arith.muli %add3A, %mul3A_1 : i32
    %mul3A_3 = arith.constant 125 : i32
    %mul3A_4 = arith.muli %add3A, %mul3A_3 : i32
    "tpu.region"() ({
      %run_scoped3A = tpu.sem_alloc : memref<!tpu.dma_semaphore, #tpu.memory_space<semaphore_mem>>
      %dma_start3A_332 = arith.constant 0 : i32
      %dma_start3A_333 = tpu.memref_slice %arg4[%mul3A_4, %dma_start3A_332] : memref<4000x80xi32, #tpu.memory_space<hbm>> -> memref<125x80xi32, #tpu.memory_space<hbm>>
      %dma_start3A_334 = arith.constant 0 : i32
      %dma_start3A_335 = tpu.memref_slice %arg4[%mul3A_4, %dma_start3A_334] : memref<4000x80xi32, #tpu.memory_space<hbm>> -> memref<125x80xi32, #tpu.memory_space<hbm>>
      tpu.enqueue_dma source(%dma_start3A_335 : memref<125x80xi32, #tpu.memory_space<hbm>>) target(%arg8 : memref<125x80xi32, #tpu.memory_space<vmem>>) target_semaphore(%run_scoped3A : memref<!tpu.dma_semaphore, #tpu.memory_space<semaphore_mem>>)
      %dma_wait3A_336 = arith.constant 0 : i32
      %dma_wait3A_337 = tpu.memref_slice %arg4[%mul3A_4, %dma_wait3A_336] : memref<4000x80xi32, #tpu.memory_space<hbm>> -> memref<125x80xi32, #tpu.memory_space<hbm>>
      %dma_wait3A_338 = arith.constant 0 : i32
      %dma_wait3A_339 = tpu.memref_slice %arg4[%mul3A_4, %dma_wait3A_338] : memref<4000x80xi32, #tpu.memory_space<hbm>> -> memref<125x80xi32, #tpu.memory_space<hbm>>
      tpu.wait_dma2 semaphore(%run_scoped3A : memref<!tpu.dma_semaphore, #tpu.memory_space<semaphore_mem>>) src(%dma_wait3A_339 : memref<125x80xi32, #tpu.memory_space<hbm>>) dst(%arg8 : memref<125x80xi32, #tpu.memory_space<vmem>>)
      tpu.yield
    }) : () -> ()
    %mul3A_5 = arith.constant 125 : i32
    %mul3A_6 = arith.muli %add3A, %mul3A_5 : i32
    "tpu.region"() ({
      %run_scoped3A = tpu.sem_alloc : memref<!tpu.dma_semaphore, #tpu.memory_space<semaphore_mem>>
      %dma_start3A_332 = arith.constant 0 : i32
      %dma_start3A_333 = tpu.memref_slice %arg5[%mul3A_6, %dma_start3A_332] : memref<4000x80xi32, #tpu.memory_space<hbm>> -> memref<125x80xi32, #tpu.memory_space<hbm>>
      %dma_start3A_334 = arith.constant 0 : i32
      %dma_start3A_335 = tpu.memref_slice %arg5[%mul3A_6, %dma_start3A_334] : memref<4000x80xi32, #tpu.memory_space<hbm>> -> memref<125x80xi32, #tpu.memory_space<hbm>>
      tpu.enqueue_dma source(%dma_start3A_335 : memref<125x80xi32, #tpu.memory_space<hbm>>) target(%arg9 : memref<125x80xi32, #tpu.memory_space<vmem>>) target_semaphore(%run_scoped3A : memref<!tpu.dma_semaphore, #tpu.memory_space<semaphore_mem>>)
      %dma_wait3A_336 = arith.constant 0 : i32
      %dma_wait3A_337 = tpu.memref_slice %arg5[%mul3A_6, %dma_wait3A_336] : memref<4000x80xi32, #tpu.memory_space<hbm>> -> memref<125x80xi32, #tpu.memory_space<hbm>>
      %dma_wait3A_338 = arith.constant 0 : i32
      %dma_wait3A_339 = tpu.memref_slice %arg5[%mul3A_6, %dma_wait3A_338] : memref<4000x80xi32, #tpu.memory_space<hbm>> -> memref<125x80xi32, #tpu.memory_space<hbm>>
      tpu.wait_dma2 semaphore(%run_scoped3A : memref<!tpu.dma_semaphore, #tpu.memory_space<semaphore_mem>>) src(%dma_wait3A_339 : memref<125x80xi32, #tpu.memory_space<hbm>>) dst(%arg9 : memref<125x80xi32, #tpu.memory_space<vmem>>)
      tpu.yield
    }) : () -> ()
    %dma_start3A = arith.constant 0 : i32
    %dma_start3A_7 = arith.constant 0 : i32
    %dma_start3A_8 = arith.constant 0 : i32
    %dma_start3A_9 = arith.constant 0 : i32
    %dma_start3A_10 = arith.constant 0 : i32
    %dma_start3A_11 = tpu.memref_slice %arg10[%dma_start3A_7, %dma_start3A_9, %dma_start3A_10] : memref<2x400x32xf32, #tpu.memory_space<vmem>> -> memref<1x400x32xf32, #tpu.memory_space<vmem>>
    %dma_start3A_12 = tpu.memref_squeeze %dma_start3A_11 : memref<1x400x32xf32, #tpu.memory_space<vmem>> -> memref<400x32xf32, #tpu.memory_space<vmem>>
    %dma_start3A_13 = arith.constant 0 : i32
    %dma_start3A_14 = arith.constant 0 : i32
    %dma_start3A_15 = tpu.memref_slice %dma_start3A_12[%dma_start3A_13, %dma_start3A_14] : memref<400x32xf32, #tpu.memory_space<vmem>> -> memref<80x32xf32, #tpu.memory_space<vmem>>
    %dma_start3A_16 = arith.constant 0 : i32
    %dma_start3A_17 = tpu.memref_slice %arg8[%dma_start3A, %dma_start3A_16] : memref<125x80xi32, #tpu.memory_space<vmem>> -> memref<1x80xi32, #tpu.memory_space<vmem>>
    %dma_start3A_18 = tpu.memref_squeeze %dma_start3A_17 : memref<1x80xi32, #tpu.memory_space<vmem>> -> memref<80xi32, #tpu.memory_space<vmem>>
    %dma_start3A_19 = arith.constant 0 : i32
    %dma_start3A_20 = arith.constant 0 : i32
    %dma_start3A_21 = tpu.memref_slice %arg2[%dma_start3A_19, %dma_start3A_20] : memref<10000x32xf32, #tpu.memory_space<hbm>> -> memref<10000x32xf32, #tpu.memory_space<hbm>>
    %dma_start3A_22 = tpu.memref_slice %arg12[%dma_start3A_8] : memref<2x!tpu.dma_semaphore, #tpu.memory_space<semaphore_mem>> -> memref<1x!tpu.dma_semaphore, #tpu.memory_space<semaphore_mem>>
    %dma_start3A_23 = tpu.memref_squeeze %dma_start3A_22 : memref<1x!tpu.dma_semaphore, #tpu.memory_space<semaphore_mem>> -> memref<!tpu.dma_semaphore, #tpu.memory_space<semaphore_mem>>
    tpu.enqueue_indirect_dma source(%dma_start3A_21 : memref<10000x32xf32, #tpu.memory_space<hbm>>) target(%dma_start3A_15 : memref<80x32xf32, #tpu.memory_space<vmem>>) offsets(%dma_start3A_18 : memref<80xi32, #tpu.memory_space<vmem>>) semaphore(%dma_start3A_23 : memref<!tpu.dma_semaphore, #tpu.memory_space<semaphore_mem>>)
    %dma_start3A_24 = arith.constant 0 : i32
    %dma_start3A_25 = arith.constant 0 : i32
    %dma_start3A_26 = arith.constant 0 : i32
    %dma_start3A_27 = arith.constant 0 : i32
    %dma_start3A_28 = arith.constant 0 : i32
    %dma_start3A_29 = tpu.memref_slice %arg11[%dma_start3A_25, %dma_start3A_27, %dma_start3A_28] : memref<2x400x32xf32, #tpu.memory_space<vmem>> -> memref<1x400x32xf32, #tpu.memory_space<vmem>>
    %dma_start3A_30 = tpu.memref_squeeze %dma_start3A_29 : memref<1x400x32xf32, #tpu.memory_space<vmem>> -> memref<400x32xf32, #tpu.memory_space<vmem>>
    %dma_start3A_31 = arith.constant 0 : i32
    %dma_start3A_32 = arith.constant 0 : i32
    %dma_start3A_33 = tpu.memref_slice %dma_start3A_30[%dma_start3A_31, %dma_start3A_32] : memref<400x32xf32, #tpu.memory_space<vmem>> -> memref<80x32xf32, #tpu.memory_space<vmem>>
    %dma_start3A_34 = arith.constant 0 : i32
    %dma_start3A_35 = tpu.memref_slice %arg9[%dma_start3A_24, %dma_start3A_34] : memref<125x80xi32, #tpu.memory_space<vmem>> -> memref<1x80xi32, #tpu.memory_space<vmem>>
    %dma_start3A_36 = tpu.memref_squeeze %dma_start3A_35 : memref<1x80xi32, #tpu.memory_space<vmem>> -> memref<80xi32, #tpu.memory_space<vmem>>
    %dma_start3A_37 = arith.constant 0 : i32
    %dma_start3A_38 = arith.constant 0 : i32
    %dma_start3A_39 = tpu.memref_slice %arg3[%dma_start3A_37, %dma_start3A_38] : memref<10000x32xf32, #tpu.memory_space<hbm>> -> memref<10000x32xf32, #tpu.memory_space<hbm>>
    %dma_start3A_40 = tpu.memref_slice %arg13[%dma_start3A_26] : memref<2x!tpu.dma_semaphore, #tpu.memory_space<semaphore_mem>> -> memref<1x!tpu.dma_semaphore, #tpu.memory_space<semaphore_mem>>
    %dma_start3A_41 = tpu.memref_squeeze %dma_start3A_40 : memref<1x!tpu.dma_semaphore, #tpu.memory_space<semaphore_mem>> -> memref<!tpu.dma_semaphore, #tpu.memory_space<semaphore_mem>>
    tpu.enqueue_indirect_dma source(%dma_start3A_39 : memref<10000x32xf32, #tpu.memory_space<hbm>>) target(%dma_start3A_33 : memref<80x32xf32, #tpu.memory_space<vmem>>) offsets(%dma_start3A_36 : memref<80xi32, #tpu.memory_space<vmem>>) semaphore(%dma_start3A_41 : memref<!tpu.dma_semaphore, #tpu.memory_space<semaphore_mem>>)
    %dma_start3A_42 = arith.constant 1 : i32
    %dma_start3A_43 = arith.constant 0 : i32
    %dma_start3A_44 = arith.constant 0 : i32
    %dma_start3A_45 = arith.constant 0 : i32
    %dma_start3A_46 = arith.constant 0 : i32
    %dma_start3A_47 = tpu.memref_slice %arg10[%dma_start3A_43, %dma_start3A_45, %dma_start3A_46] : memref<2x400x32xf32, #tpu.memory_space<vmem>> -> memref<1x400x32xf32, #tpu.memory_space<vmem>>
    %dma_start3A_48 = tpu.memref_squeeze %dma_start3A_47 : memref<1x400x32xf32, #tpu.memory_space<vmem>> -> memref<400x32xf32, #tpu.memory_space<vmem>>
    %dma_start3A_49 = arith.constant 80 : i32
    %dma_start3A_50 = arith.constant 0 : i32
    %dma_start3A_51 = tpu.memref_slice %dma_start3A_48[%dma_start3A_49, %dma_start3A_50] : memref<400x32xf32, #tpu.memory_space<vmem>> -> memref<80x32xf32, #tpu.memory_space<vmem>>
    %dma_start3A_52 = arith.constant 0 : i32
    %dma_start3A_53 = tpu.memref_slice %arg8[%dma_start3A_42, %dma_start3A_52] : memref<125x80xi32, #tpu.memory_space<vmem>> -> memref<1x80xi32, #tpu.memory_space<vmem>>
    %dma_start3A_54 = tpu.memref_squeeze %dma_start3A_53 : memref<1x80xi32, #tpu.memory_space<vmem>> -> memref<80xi32, #tpu.memory_space<vmem>>
    %dma_start3A_55 = arith.constant 0 : i32
    %dma_start3A_56 = arith.constant 0 : i32
    %dma_start3A_57 = tpu.memref_slice %arg2[%dma_start3A_55, %dma_start3A_56] : memref<10000x32xf32, #tpu.memory_space<hbm>> -> memref<10000x32xf32, #tpu.memory_space<hbm>>
    %dma_start3A_58 = tpu.memref_slice %arg12[%dma_start3A_44] : memref<2x!tpu.dma_semaphore, #tpu.memory_space<semaphore_mem>> -> memref<1x!tpu.dma_semaphore, #tpu.memory_space<semaphore_mem>>
    %dma_start3A_59 = tpu.memref_squeeze %dma_start3A_58 : memref<1x!tpu.dma_semaphore, #tpu.memory_space<semaphore_mem>> -> memref<!tpu.dma_semaphore, #tpu.memory_space<semaphore_mem>>
    tpu.enqueue_indirect_dma source(%dma_start3A_57 : memref<10000x32xf32, #tpu.memory_space<hbm>>) target(%dma_start3A_51 : memref<80x32xf32, #tpu.memory_space<vmem>>) offsets(%dma_start3A_54 : memref<80xi32, #tpu.memory_space<vmem>>) semaphore(%dma_start3A_59 : memref<!tpu.dma_semaphore, #tpu.memory_space<semaphore_mem>>)
    %dma_start3A_60 = arith.constant 1 : i32
    %dma_start3A_61 = arith.constant 0 : i32
    %dma_start3A_62 = arith.constant 0 : i32
    %dma_start3A_63 = arith.constant 0 : i32
    %dma_start3A_64 = arith.constant 0 : i32
    %dma_start3A_65 = tpu.memref_slice %arg11[%dma_start3A_61, %dma_start3A_63, %dma_start3A_64] : memref<2x400x32xf32, #tpu.memory_space<vmem>> -> memref<1x400x32xf32, #tpu.memory_space<vmem>>
    %dma_start3A_66 = tpu.memref_squeeze %dma_start3A_65 : memref<1x400x32xf32, #tpu.memory_space<vmem>> -> memref<400x32xf32, #tpu.memory_space<vmem>>
    %dma_start3A_67 = arith.constant 80 : i32
    %dma_start3A_68 = arith.constant 0 : i32
    %dma_start3A_69 = tpu.memref_slice %dma_start3A_66[%dma_start3A_67, %dma_start3A_68] : memref<400x32xf32, #tpu.memory_space<vmem>> -> memref<80x32xf32, #tpu.memory_space<vmem>>
    %dma_start3A_70 = arith.constant 0 : i32
    %dma_start3A_71 = tpu.memref_slice %arg9[%dma_start3A_60, %dma_start3A_70] : memref<125x80xi32, #tpu.memory_space<vmem>> -> memref<1x80xi32, #tpu.memory_space<vmem>>
    %dma_start3A_72 = tpu.memref_squeeze %dma_start3A_71 : memref<1x80xi32, #tpu.memory_space<vmem>> -> memref<80xi32, #tpu.memory_space<vmem>>
    %dma_start3A_73 = arith.constant 0 : i32
    %dma_start3A_74 = arith.constant 0 : i32
    %dma_start3A_75 = tpu.memref_slice %arg3[%dma_start3A_73, %dma_start3A_74] : memref<10000x32xf32, #tpu.memory_space<hbm>> -> memref<10000x32xf32, #tpu.memory_space<hbm>>
    %dma_start3A_76 = tpu.memref_slice %arg13[%dma_start3A_62] : memref<2x!tpu.dma_semaphore, #tpu.memory_space<semaphore_mem>> -> memref<1x!tpu.dma_semaphore, #tpu.memory_space<semaphore_mem>>
    %dma_start3A_77 = tpu.memref_squeeze %dma_start3A_76 : memref<1x!tpu.dma_semaphore, #tpu.memory_space<semaphore_mem>> -> memref<!tpu.dma_semaphore, #tpu.memory_space<semaphore_mem>>
    tpu.enqueue_indirect_dma source(%dma_start3A_75 : memref<10000x32xf32, #tpu.memory_space<hbm>>) target(%dma_start3A_69 : memref<80x32xf32, #tpu.memory_space<vmem>>) offsets(%dma_start3A_72 : memref<80xi32, #tpu.memory_space<vmem>>) semaphore(%dma_start3A_77 : memref<!tpu.dma_semaphore, #tpu.memory_space<semaphore_mem>>)
    %dma_start3A_78 = arith.constant 2 : i32
    %dma_start3A_79 = arith.constant 0 : i32
    %dma_start3A_80 = arith.constant 0 : i32
    %dma_start3A_81 = arith.constant 0 : i32
    %dma_start3A_82 = arith.constant 0 : i32
    %dma_start3A_83 = tpu.memref_slice %arg10[%dma_start3A_79, %dma_start3A_81, %dma_start3A_82] : memref<2x400x32xf32, #tpu.memory_space<vmem>> -> memref<1x400x32xf32, #tpu.memory_space<vmem>>
    %dma_start3A_84 = tpu.memref_squeeze %dma_start3A_83 : memref<1x400x32xf32, #tpu.memory_space<vmem>> -> memref<400x32xf32, #tpu.memory_space<vmem>>
    %dma_start3A_85 = arith.constant 160 : i32
    %dma_start3A_86 = arith.constant 0 : i32
    %dma_start3A_87 = tpu.memref_slice %dma_start3A_84[%dma_start3A_85, %dma_start3A_86] : memref<400x32xf32, #tpu.memory_space<vmem>> -> memref<80x32xf32, #tpu.memory_space<vmem>>
    %dma_start3A_88 = arith.constant 0 : i32
    %dma_start3A_89 = tpu.memref_slice %arg8[%dma_start3A_78, %dma_start3A_88] : memref<125x80xi32, #tpu.memory_space<vmem>> -> memref<1x80xi32, #tpu.memory_space<vmem>>
    %dma_start3A_90 = tpu.memref_squeeze %dma_start3A_89 : memref<1x80xi32, #tpu.memory_space<vmem>> -> memref<80xi32, #tpu.memory_space<vmem>>
    %dma_start3A_91 = arith.constant 0 : i32
    %dma_start3A_92 = arith.constant 0 : i32
    %dma_start3A_93 = tpu.memref_slice %arg2[%dma_start3A_91, %dma_start3A_92] : memref<10000x32xf32, #tpu.memory_space<hbm>> -> memref<10000x32xf32, #tpu.memory_space<hbm>>
    %dma_start3A_94 = tpu.memref_slice %arg12[%dma_start3A_80] : memref<2x!tpu.dma_semaphore, #tpu.memory_space<semaphore_mem>> -> memref<1x!tpu.dma_semaphore, #tpu.memory_space<semaphore_mem>>
    %dma_start3A_95 = tpu.memref_squeeze %dma_start3A_94 : memref<1x!tpu.dma_semaphore, #tpu.memory_space<semaphore_mem>> -> memref<!tpu.dma_semaphore, #tpu.memory_space<semaphore_mem>>
    tpu.enqueue_indirect_dma source(%dma_start3A_93 : memref<10000x32xf32, #tpu.memory_space<hbm>>) target(%dma_start3A_87 : memref<80x32xf32, #tpu.memory_space<vmem>>) offsets(%dma_start3A_90 : memref<80xi32, #tpu.memory_space<vmem>>) semaphore(%dma_start3A_95 : memref<!tpu.dma_semaphore, #tpu.memory_space<semaphore_mem>>)
    %dma_start3A_96 = arith.constant 2 : i32
    %dma_start3A_97 = arith.constant 0 : i32
    %dma_start3A_98 = arith.constant 0 : i32
    %dma_start3A_99 = arith.constant 0 : i32
    %dma_start3A_100 = arith.constant 0 : i32
    %dma_start3A_101 = tpu.memref_slice %arg11[%dma_start3A_97, %dma_start3A_99, %dma_start3A_100] : memref<2x400x32xf32, #tpu.memory_space<vmem>> -> memref<1x400x32xf32, #tpu.memory_space<vmem>>
    %dma_start3A_102 = tpu.memref_squeeze %dma_start3A_101 : memref<1x400x32xf32, #tpu.memory_space<vmem>> -> memref<400x32xf32, #tpu.memory_space<vmem>>
    %dma_start3A_103 = arith.constant 160 : i32
    %dma_start3A_104 = arith.constant 0 : i32
    %dma_start3A_105 = tpu.memref_slice %dma_start3A_102[%dma_start3A_103, %dma_start3A_104] : memref<400x32xf32, #tpu.memory_space<vmem>> -> memref<80x32xf32, #tpu.memory_space<vmem>>
    %dma_start3A_106 = arith.constant 0 : i32
    %dma_start3A_107 = tpu.memref_slice %arg9[%dma_start3A_96, %dma_start3A_106] : memref<125x80xi32, #tpu.memory_space<vmem>> -> memref<1x80xi32, #tpu.memory_space<vmem>>
    %dma_start3A_108 = tpu.memref_squeeze %dma_start3A_107 : memref<1x80xi32, #tpu.memory_space<vmem>> -> memref<80xi32, #tpu.memory_space<vmem>>
    %dma_start3A_109 = arith.constant 0 : i32
    %dma_start3A_110 = arith.constant 0 : i32
    %dma_start3A_111 = tpu.memref_slice %arg3[%dma_start3A_109, %dma_start3A_110] : memref<10000x32xf32, #tpu.memory_space<hbm>> -> memref<10000x32xf32, #tpu.memory_space<hbm>>
    %dma_start3A_112 = tpu.memref_slice %arg13[%dma_start3A_98] : memref<2x!tpu.dma_semaphore, #tpu.memory_space<semaphore_mem>> -> memref<1x!tpu.dma_semaphore, #tpu.memory_space<semaphore_mem>>
    %dma_start3A_113 = tpu.memref_squeeze %dma_start3A_112 : memref<1x!tpu.dma_semaphore, #tpu.memory_space<semaphore_mem>> -> memref<!tpu.dma_semaphore, #tpu.memory_space<semaphore_mem>>
    tpu.enqueue_indirect_dma source(%dma_start3A_111 : memref<10000x32xf32, #tpu.memory_space<hbm>>) target(%dma_start3A_105 : memref<80x32xf32, #tpu.memory_space<vmem>>) offsets(%dma_start3A_108 : memref<80xi32, #tpu.memory_space<vmem>>) semaphore(%dma_start3A_113 : memref<!tpu.dma_semaphore, #tpu.memory_space<semaphore_mem>>)
    %dma_start3A_114 = arith.constant 3 : i32
    %dma_start3A_115 = arith.constant 0 : i32
    %dma_start3A_116 = arith.constant 0 : i32
    %dma_start3A_117 = arith.constant 0 : i32
    %dma_start3A_118 = arith.constant 0 : i32
    %dma_start3A_119 = tpu.memref_slice %arg10[%dma_start3A_115, %dma_start3A_117, %dma_start3A_118] : memref<2x400x32xf32, #tpu.memory_space<vmem>> -> memref<1x400x32xf32, #tpu.memory_space<vmem>>
    %dma_start3A_120 = tpu.memref_squeeze %dma_start3A_119 : memref<1x400x32xf32, #tpu.memory_space<vmem>> -> memref<400x32xf32, #tpu.memory_space<vmem>>
    %dma_start3A_121 = arith.constant 240 : i32
    %dma_start3A_122 = arith.constant 0 : i32
    %dma_start3A_123 = tpu.memref_slice %dma_start3A_120[%dma_start3A_121, %dma_start3A_122] : memref<400x32xf32, #tpu.memory_space<vmem>> -> memref<80x32xf32, #tpu.memory_space<vmem>>
    %dma_start3A_124 = arith.constant 0 : i32
    %dma_start3A_125 = tpu.memref_slice %arg8[%dma_start3A_114, %dma_start3A_124] : memref<125x80xi32, #tpu.memory_space<vmem>> -> memref<1x80xi32, #tpu.memory_space<vmem>>
    %dma_start3A_126 = tpu.memref_squeeze %dma_start3A_125 : memref<1x80xi32, #tpu.memory_space<vmem>> -> memref<80xi32, #tpu.memory_space<vmem>>
    %dma_start3A_127 = arith.constant 0 : i32
    %dma_start3A_128 = arith.constant 0 : i32
    %dma_start3A_129 = tpu.memref_slice %arg2[%dma_start3A_127, %dma_start3A_128] : memref<10000x32xf32, #tpu.memory_space<hbm>> -> memref<10000x32xf32, #tpu.memory_space<hbm>>
    %dma_start3A_130 = tpu.memref_slice %arg12[%dma_start3A_116] : memref<2x!tpu.dma_semaphore, #tpu.memory_space<semaphore_mem>> -> memref<1x!tpu.dma_semaphore, #tpu.memory_space<semaphore_mem>>
    %dma_start3A_131 = tpu.memref_squeeze %dma_start3A_130 : memref<1x!tpu.dma_semaphore, #tpu.memory_space<semaphore_mem>> -> memref<!tpu.dma_semaphore, #tpu.memory_space<semaphore_mem>>
    tpu.enqueue_indirect_dma source(%dma_start3A_129 : memref<10000x32xf32, #tpu.memory_space<hbm>>) target(%dma_start3A_123 : memref<80x32xf32, #tpu.memory_space<vmem>>) offsets(%dma_start3A_126 : memref<80xi32, #tpu.memory_space<vmem>>) semaphore(%dma_start3A_131 : memref<!tpu.dma_semaphore, #tpu.memory_space<semaphore_mem>>)
    %dma_start3A_132 = arith.constant 3 : i32
    %dma_start3A_133 = arith.constant 0 : i32
    %dma_start3A_134 = arith.constant 0 : i32
    %dma_start3A_135 = arith.constant 0 : i32
    %dma_start3A_136 = arith.constant 0 : i32
    %dma_start3A_137 = tpu.memref_slice %arg11[%dma_start3A_133, %dma_start3A_135, %dma_start3A_136] : memref<2x400x32xf32, #tpu.memory_space<vmem>> -> memref<1x400x32xf32, #tpu.memory_space<vmem>>
    %dma_start3A_138 = tpu.memref_squeeze %dma_start3A_137 : memref<1x400x32xf32, #tpu.memory_space<vmem>> -> memref<400x32xf32, #tpu.memory_space<vmem>>
    %dma_start3A_139 = arith.constant 240 : i32
    %dma_start3A_140 = arith.constant 0 : i32
    %dma_start3A_141 = tpu.memref_slice %dma_start3A_138[%dma_start3A_139, %dma_start3A_140] : memref<400x32xf32, #tpu.memory_space<vmem>> -> memref<80x32xf32, #tpu.memory_space<vmem>>
    %dma_start3A_142 = arith.constant 0 : i32
    %dma_start3A_143 = tpu.memref_slice %arg9[%dma_start3A_132, %dma_start3A_142] : memref<125x80xi32, #tpu.memory_space<vmem>> -> memref<1x80xi32, #tpu.memory_space<vmem>>
    %dma_start3A_144 = tpu.memref_squeeze %dma_start3A_143 : memref<1x80xi32, #tpu.memory_space<vmem>> -> memref<80xi32, #tpu.memory_space<vmem>>
    %dma_start3A_145 = arith.constant 0 : i32
    %dma_start3A_146 = arith.constant 0 : i32
    %dma_start3A_147 = tpu.memref_slice %arg3[%dma_start3A_145, %dma_start3A_146] : memref<10000x32xf32, #tpu.memory_space<hbm>> -> memref<10000x32xf32, #tpu.memory_space<hbm>>
    %dma_start3A_148 = tpu.memref_slice %arg13[%dma_start3A_134] : memref<2x!tpu.dma_semaphore, #tpu.memory_space<semaphore_mem>> -> memref<1x!tpu.dma_semaphore, #tpu.memory_space<semaphore_mem>>
    %dma_start3A_149 = tpu.memref_squeeze %dma_start3A_148 : memref<1x!tpu.dma_semaphore, #tpu.memory_space<semaphore_mem>> -> memref<!tpu.dma_semaphore, #tpu.memory_space<semaphore_mem>>
    tpu.enqueue_indirect_dma source(%dma_start3A_147 : memref<10000x32xf32, #tpu.memory_space<hbm>>) target(%dma_start3A_141 : memref<80x32xf32, #tpu.memory_space<vmem>>) offsets(%dma_start3A_144 : memref<80xi32, #tpu.memory_space<vmem>>) semaphore(%dma_start3A_149 : memref<!tpu.dma_semaphore, #tpu.memory_space<semaphore_mem>>)
    %dma_start3A_150 = arith.constant 4 : i32
    %dma_start3A_151 = arith.constant 0 : i32
    %dma_start3A_152 = arith.constant 0 : i32
    %dma_start3A_153 = arith.constant 0 : i32
    %dma_start3A_154 = arith.constant 0 : i32
    %dma_start3A_155 = tpu.memref_slice %arg10[%dma_start3A_151, %dma_start3A_153, %dma_start3A_154] : memref<2x400x32xf32, #tpu.memory_space<vmem>> -> memref<1x400x32xf32, #tpu.memory_space<vmem>>
    %dma_start3A_156 = tpu.memref_squeeze %dma_start3A_155 : memref<1x400x32xf32, #tpu.memory_space<vmem>> -> memref<400x32xf32, #tpu.memory_space<vmem>>
    %dma_start3A_157 = arith.constant 320 : i32
    %dma_start3A_158 = arith.constant 0 : i32
    %dma_start3A_159 = tpu.memref_slice %dma_start3A_156[%dma_start3A_157, %dma_start3A_158] : memref<400x32xf32, #tpu.memory_space<vmem>> -> memref<80x32xf32, #tpu.memory_space<vmem>>
    %dma_start3A_160 = arith.constant 0 : i32
    %dma_start3A_161 = tpu.memref_slice %arg8[%dma_start3A_150, %dma_start3A_160] : memref<125x80xi32, #tpu.memory_space<vmem>> -> memref<1x80xi32, #tpu.memory_space<vmem>>
    %dma_start3A_162 = tpu.memref_squeeze %dma_start3A_161 : memref<1x80xi32, #tpu.memory_space<vmem>> -> memref<80xi32, #tpu.memory_space<vmem>>
    %dma_start3A_163 = arith.constant 0 : i32
    %dma_start3A_164 = arith.constant 0 : i32
    %dma_start3A_165 = tpu.memref_slice %arg2[%dma_start3A_163, %dma_start3A_164] : memref<10000x32xf32, #tpu.memory_space<hbm>> -> memref<10000x32xf32, #tpu.memory_space<hbm>>
    %dma_start3A_166 = tpu.memref_slice %arg12[%dma_start3A_152] : memref<2x!tpu.dma_semaphore, #tpu.memory_space<semaphore_mem>> -> memref<1x!tpu.dma_semaphore, #tpu.memory_space<semaphore_mem>>
    %dma_start3A_167 = tpu.memref_squeeze %dma_start3A_166 : memref<1x!tpu.dma_semaphore, #tpu.memory_space<semaphore_mem>> -> memref<!tpu.dma_semaphore, #tpu.memory_space<semaphore_mem>>
    tpu.enqueue_indirect_dma source(%dma_start3A_165 : memref<10000x32xf32, #tpu.memory_space<hbm>>) target(%dma_start3A_159 : memref<80x32xf32, #tpu.memory_space<vmem>>) offsets(%dma_start3A_162 : memref<80xi32, #tpu.memory_space<vmem>>) semaphore(%dma_start3A_167 : memref<!tpu.dma_semaphore, #tpu.memory_space<semaphore_mem>>)
    %dma_start3A_168 = arith.constant 4 : i32
    %dma_start3A_169 = arith.constant 0 : i32
    %dma_start3A_170 = arith.constant 0 : i32
    %dma_start3A_171 = arith.constant 0 : i32
    %dma_start3A_172 = arith.constant 0 : i32
    %dma_start3A_173 = tpu.memref_slice %arg11[%dma_start3A_169, %dma_start3A_171, %dma_start3A_172] : memref<2x400x32xf32, #tpu.memory_space<vmem>> -> memref<1x400x32xf32, #tpu.memory_space<vmem>>
    %dma_start3A_174 = tpu.memref_squeeze %dma_start3A_173 : memref<1x400x32xf32, #tpu.memory_space<vmem>> -> memref<400x32xf32, #tpu.memory_space<vmem>>
    %dma_start3A_175 = arith.constant 320 : i32
    %dma_start3A_176 = arith.constant 0 : i32
    %dma_start3A_177 = tpu.memref_slice %dma_start3A_174[%dma_start3A_175, %dma_start3A_176] : memref<400x32xf32, #tpu.memory_space<vmem>> -> memref<80x32xf32, #tpu.memory_space<vmem>>
    %dma_start3A_178 = arith.constant 0 : i32
    %dma_start3A_179 = tpu.memref_slice %arg9[%dma_start3A_168, %dma_start3A_178] : memref<125x80xi32, #tpu.memory_space<vmem>> -> memref<1x80xi32, #tpu.memory_space<vmem>>
    %dma_start3A_180 = tpu.memref_squeeze %dma_start3A_179 : memref<1x80xi32, #tpu.memory_space<vmem>> -> memref<80xi32, #tpu.memory_space<vmem>>
    %dma_start3A_181 = arith.constant 0 : i32
    %dma_start3A_182 = arith.constant 0 : i32
    %dma_start3A_183 = tpu.memref_slice %arg3[%dma_start3A_181, %dma_start3A_182] : memref<10000x32xf32, #tpu.memory_space<hbm>> -> memref<10000x32xf32, #tpu.memory_space<hbm>>
    %dma_start3A_184 = tpu.memref_slice %arg13[%dma_start3A_170] : memref<2x!tpu.dma_semaphore, #tpu.memory_space<semaphore_mem>> -> memref<1x!tpu.dma_semaphore, #tpu.memory_space<semaphore_mem>>
    %dma_start3A_185 = tpu.memref_squeeze %dma_start3A_184 : memref<1x!tpu.dma_semaphore, #tpu.memory_space<semaphore_mem>> -> memref<!tpu.dma_semaphore, #tpu.memory_space<semaphore_mem>>
    tpu.enqueue_indirect_dma source(%dma_start3A_183 : memref<10000x32xf32, #tpu.memory_space<hbm>>) target(%dma_start3A_177 : memref<80x32xf32, #tpu.memory_space<vmem>>) offsets(%dma_start3A_180 : memref<80xi32, #tpu.memory_space<vmem>>) semaphore(%dma_start3A_185 : memref<!tpu.dma_semaphore, #tpu.memory_space<semaphore_mem>>)
    %scan3A = arith.constant 0 : i32
    %scan3A_186 = arith.constant 1 : i32
    %scan3A_187 = arith.constant 24 : i32
    %scan3A_188 = arith.addi %scan3A_186, %scan3A_187 : i32
    %scan3A_189 = arith.constant 1 : i32
    scf.for %scan3A_332 = %scan3A_186 to %scan3A_188 step %scan3A_189  : i32 {
      %rem3A = arith.constant 2 : i32
      %rem3A_333 = arith.remsi %scan3A_332, %rem3A : i32
      %sub3A = arith.constant 1 : i32
      %sub3A_334 = arith.subi %sub3A, %rem3A_333 : i32
      %ge3A = arith.constant 2 : i32
      %ge3A_335 = arith.cmpi sge, %scan3A_332, %ge3A : i32
      %convert_element_type3A = arith.extui %ge3A_335 : i1 to i32
      %cond3A = arith.constant 0 : i32
      %cond3A_336 = arith.cmpi ne, %convert_element_type3A, %cond3A : i32
      scf.if %cond3A_336 {
        %dma_wait3A_572 = arith.constant 0 : i32
        %dma_wait3A_573 = arith.constant 0 : i32
        %dma_wait3A_574 = tpu.memref_slice %arg10[%rem3A_333, %dma_wait3A_572, %dma_wait3A_573] : memref<2x400x32xf32, #tpu.memory_space<vmem>> -> memref<1x400x32xf32, #tpu.memory_space<vmem>>
        %dma_wait3A_575 = tpu.memref_squeeze %dma_wait3A_574 : memref<1x400x32xf32, #tpu.memory_space<vmem>> -> memref<400x32xf32, #tpu.memory_space<vmem>>
        %dma_wait3A_576 = arith.constant 0 : i32
        %dma_wait3A_577 = arith.constant 0 : i32
        %dma_wait3A_578 = tpu.memref_slice %arg6[%dma_wait3A_576, %dma_wait3A_577] : memref<320000x32xf32, #tpu.memory_space<hbm>> -> memref<400x32xf32, #tpu.memory_space<hbm>>
        %dma_wait3A_579 = tpu.memref_slice %arg14[%rem3A_333] : memref<2x!tpu.dma_semaphore, #tpu.memory_space<semaphore_mem>> -> memref<1x!tpu.dma_semaphore, #tpu.memory_space<semaphore_mem>>
        %dma_wait3A_580 = tpu.memref_squeeze %dma_wait3A_579 : memref<1x!tpu.dma_semaphore, #tpu.memory_space<semaphore_mem>> -> memref<!tpu.dma_semaphore, #tpu.memory_space<semaphore_mem>>
        %dma_wait3A_581 = arith.constant 0 : i32
        %dma_wait3A_582 = arith.constant 0 : i32
        %dma_wait3A_583 = tpu.memref_slice %arg6[%dma_wait3A_581, %dma_wait3A_582] : memref<320000x32xf32, #tpu.memory_space<hbm>> -> memref<400x32xf32, #tpu.memory_space<hbm>>
        %dma_wait3A_584 = arith.constant 0 : i32
        %dma_wait3A_585 = arith.constant 0 : i32
        %dma_wait3A_586 = tpu.memref_slice %arg10[%rem3A_333, %dma_wait3A_584, %dma_wait3A_585] : memref<2x400x32xf32, #tpu.memory_space<vmem>> -> memref<1x400x32xf32, #tpu.memory_space<vmem>>
        %dma_wait3A_587 = tpu.memref_squeeze %dma_wait3A_586 : memref<1x400x32xf32, #tpu.memory_space<vmem>> -> memref<400x32xf32, #tpu.memory_space<vmem>>
        tpu.wait_dma2 semaphore(%dma_wait3A_580 : memref<!tpu.dma_semaphore, #tpu.memory_space<semaphore_mem>>) src(%dma_wait3A_587 : memref<400x32xf32, #tpu.memory_space<vmem>>) dst(%dma_wait3A_583 : memref<400x32xf32, #tpu.memory_space<hbm>>)
        %dma_wait3A_588 = arith.constant 0 : i32
        %dma_wait3A_589 = arith.constant 0 : i32
        %dma_wait3A_590 = tpu.memref_slice %arg11[%rem3A_333, %dma_wait3A_588, %dma_wait3A_589] : memref<2x400x32xf32, #tpu.memory_space<vmem>> -> memref<1x400x32xf32, #tpu.memory_space<vmem>>
        %dma_wait3A_591 = tpu.memref_squeeze %dma_wait3A_590 : memref<1x400x32xf32, #tpu.memory_space<vmem>> -> memref<400x32xf32, #tpu.memory_space<vmem>>
        %dma_wait3A_592 = arith.constant 0 : i32
        %dma_wait3A_593 = arith.constant 0 : i32
        %dma_wait3A_594 = tpu.memref_slice %arg7[%dma_wait3A_592, %dma_wait3A_593] : memref<320000x32xf32, #tpu.memory_space<hbm>> -> memref<400x32xf32, #tpu.memory_space<hbm>>
        %dma_wait3A_595 = tpu.memref_slice %arg15[%rem3A_333] : memref<2x!tpu.dma_semaphore, #tpu.memory_space<semaphore_mem>> -> memref<1x!tpu.dma_semaphore, #tpu.memory_space<semaphore_mem>>
        %dma_wait3A_596 = tpu.memref_squeeze %dma_wait3A_595 : memref<1x!tpu.dma_semaphore, #tpu.memory_space<semaphore_mem>> -> memref<!tpu.dma_semaphore, #tpu.memory_space<semaphore_mem>>
        %dma_wait3A_597 = arith.constant 0 : i32
        %dma_wait3A_598 = arith.constant 0 : i32
        %dma_wait3A_599 = tpu.memref_slice %arg7[%dma_wait3A_597, %dma_wait3A_598] : memref<320000x32xf32, #tpu.memory_space<hbm>> -> memref<400x32xf32, #tpu.memory_space<hbm>>
        %dma_wait3A_600 = arith.constant 0 : i32
        %dma_wait3A_601 = arith.constant 0 : i32
        %dma_wait3A_602 = tpu.memref_slice %arg11[%rem3A_333, %dma_wait3A_600, %dma_wait3A_601] : memref<2x400x32xf32, #tpu.memory_space<vmem>> -> memref<1x400x32xf32, #tpu.memory_space<vmem>>
        %dma_wait3A_603 = tpu.memref_squeeze %dma_wait3A_602 : memref<1x400x32xf32, #tpu.memory_space<vmem>> -> memref<400x32xf32, #tpu.memory_space<vmem>>
        tpu.wait_dma2 semaphore(%dma_wait3A_596 : memref<!tpu.dma_semaphore, #tpu.memory_space<semaphore_mem>>) src(%dma_wait3A_603 : memref<400x32xf32, #tpu.memory_space<vmem>>) dst(%dma_wait3A_599 : memref<400x32xf32, #tpu.memory_space<hbm>>)
      } else {
      }
      %mul3A_337 = arith.constant 5 : i32
      %mul3A_338 = arith.muli %scan3A_332, %mul3A_337 : i32
      %add3A_339 = arith.constant 0 : i32
      %add3A_340 = arith.addi %mul3A_338, %add3A_339 : i32
      %dma_start3A_341 = arith.constant 0 : i32
      %dma_start3A_342 = arith.constant 0 : i32
      %dma_start3A_343 = tpu.memref_slice %arg10[%rem3A_333, %dma_start3A_341, %dma_start3A_342] : memref<2x400x32xf32, #tpu.memory_space<vmem>> -> memref<1x400x32xf32, #tpu.memory_space<vmem>>
      %dma_start3A_344 = tpu.memref_squeeze %dma_start3A_343 : memref<1x400x32xf32, #tpu.memory_space<vmem>> -> memref<400x32xf32, #tpu.memory_space<vmem>>
      %dma_start3A_345 = arith.constant 0 : i32
      %dma_start3A_346 = arith.constant 0 : i32
      %dma_start3A_347 = tpu.memref_slice %dma_start3A_344[%dma_start3A_345, %dma_start3A_346] : memref<400x32xf32, #tpu.memory_space<vmem>> -> memref<80x32xf32, #tpu.memory_space<vmem>>
      %dma_start3A_348 = arith.constant 0 : i32
      %dma_start3A_349 = tpu.memref_slice %arg8[%add3A_340, %dma_start3A_348] : memref<125x80xi32, #tpu.memory_space<vmem>> -> memref<1x80xi32, #tpu.memory_space<vmem>>
      %dma_start3A_350 = tpu.memref_squeeze %dma_start3A_349 : memref<1x80xi32, #tpu.memory_space<vmem>> -> memref<80xi32, #tpu.memory_space<vmem>>
      %dma_start3A_351 = arith.constant 0 : i32
      %dma_start3A_352 = arith.constant 0 : i32
      %dma_start3A_353 = tpu.memref_slice %arg2[%dma_start3A_351, %dma_start3A_352] : memref<10000x32xf32, #tpu.memory_space<hbm>> -> memref<10000x32xf32, #tpu.memory_space<hbm>>
      %dma_start3A_354 = tpu.memref_slice %arg12[%rem3A_333] : memref<2x!tpu.dma_semaphore, #tpu.memory_space<semaphore_mem>> -> memref<1x!tpu.dma_semaphore, #tpu.memory_space<semaphore_mem>>
      %dma_start3A_355 = tpu.memref_squeeze %dma_start3A_354 : memref<1x!tpu.dma_semaphore, #tpu.memory_space<semaphore_mem>> -> memref<!tpu.dma_semaphore, #tpu.memory_space<semaphore_mem>>
      tpu.enqueue_indirect_dma source(%dma_start3A_353 : memref<10000x32xf32, #tpu.memory_space<hbm>>) target(%dma_start3A_347 : memref<80x32xf32, #tpu.memory_space<vmem>>) offsets(%dma_start3A_350 : memref<80xi32, #tpu.memory_space<vmem>>) semaphore(%dma_start3A_355 : memref<!tpu.dma_semaphore, #tpu.memory_space<semaphore_mem>>)
      %dma_start3A_356 = arith.constant 0 : i32
      %dma_start3A_357 = arith.constant 0 : i32
      %dma_start3A_358 = tpu.memref_slice %arg11[%rem3A_333, %dma_start3A_356, %dma_start3A_357] : memref<2x400x32xf32, #tpu.memory_space<vmem>> -> memref<1x400x32xf32, #tpu.memory_space<vmem>>
      %dma_start3A_359 = tpu.memref_squeeze %dma_start3A_358 : memref<1x400x32xf32, #tpu.memory_space<vmem>> -> memref<400x32xf32, #tpu.memory_space<vmem>>
      %dma_start3A_360 = arith.constant 0 : i32
      %dma_start3A_361 = arith.constant 0 : i32
      %dma_start3A_362 = tpu.memref_slice %dma_start3A_359[%dma_start3A_360, %dma_start3A_361] : memref<400x32xf32, #tpu.memory_space<vmem>> -> memref<80x32xf32, #tpu.memory_space<vmem>>
      %dma_start3A_363 = arith.constant 0 : i32
      %dma_start3A_364 = tpu.memref_slice %arg9[%add3A_340, %dma_start3A_363] : memref<125x80xi32, #tpu.memory_space<vmem>> -> memref<1x80xi32, #tpu.memory_space<vmem>>
      %dma_start3A_365 = tpu.memref_squeeze %dma_start3A_364 : memref<1x80xi32, #tpu.memory_space<vmem>> -> memref<80xi32, #tpu.memory_space<vmem>>
      %dma_start3A_366 = arith.constant 0 : i32
      %dma_start3A_367 = arith.constant 0 : i32
      %dma_start3A_368 = tpu.memref_slice %arg3[%dma_start3A_366, %dma_start3A_367] : memref<10000x32xf32, #tpu.memory_space<hbm>> -> memref<10000x32xf32, #tpu.memory_space<hbm>>
      %dma_start3A_369 = tpu.memref_slice %arg13[%rem3A_333] : memref<2x!tpu.dma_semaphore, #tpu.memory_space<semaphore_mem>> -> memref<1x!tpu.dma_semaphore, #tpu.memory_space<semaphore_mem>>
      %dma_start3A_370 = tpu.memref_squeeze %dma_start3A_369 : memref<1x!tpu.dma_semaphore, #tpu.memory_space<semaphore_mem>> -> memref<!tpu.dma_semaphore, #tpu.memory_space<semaphore_mem>>
      tpu.enqueue_indirect_dma source(%dma_start3A_368 : memref<10000x32xf32, #tpu.memory_space<hbm>>) target(%dma_start3A_362 : memref<80x32xf32, #tpu.memory_space<vmem>>) offsets(%dma_start3A_365 : memref<80xi32, #tpu.memory_space<vmem>>) semaphore(%dma_start3A_370 : memref<!tpu.dma_semaphore, #tpu.memory_space<semaphore_mem>>)
      %mul3A_371 = arith.constant 5 : i32
      %mul3A_372 = arith.muli %scan3A_332, %mul3A_371 : i32
      %add3A_373 = arith.constant 1 : i32
      %add3A_374 = arith.addi %mul3A_372, %add3A_373 : i32
      %dma_start3A_375 = arith.constant 0 : i32
      %dma_start3A_376 = arith.constant 0 : i32
      %dma_start3A_377 = tpu.memref_slice %arg10[%rem3A_333, %dma_start3A_375, %dma_start3A_376] : memref<2x400x32xf32, #tpu.memory_space<vmem>> -> memref<1x400x32xf32, #tpu.memory_space<vmem>>
      %dma_start3A_378 = tpu.memref_squeeze %dma_start3A_377 : memref<1x400x32xf32, #tpu.memory_space<vmem>> -> memref<400x32xf32, #tpu.memory_space<vmem>>
      %dma_start3A_379 = arith.constant 80 : i32
      %dma_start3A_380 = arith.constant 0 : i32
      %dma_start3A_381 = tpu.memref_slice %dma_start3A_378[%dma_start3A_379, %dma_start3A_380] : memref<400x32xf32, #tpu.memory_space<vmem>> -> memref<80x32xf32, #tpu.memory_space<vmem>>
      %dma_start3A_382 = arith.constant 0 : i32
      %dma_start3A_383 = tpu.memref_slice %arg8[%add3A_374, %dma_start3A_382] : memref<125x80xi32, #tpu.memory_space<vmem>> -> memref<1x80xi32, #tpu.memory_space<vmem>>
      %dma_start3A_384 = tpu.memref_squeeze %dma_start3A_383 : memref<1x80xi32, #tpu.memory_space<vmem>> -> memref<80xi32, #tpu.memory_space<vmem>>
      %dma_start3A_385 = arith.constant 0 : i32
      %dma_start3A_386 = arith.constant 0 : i32
      %dma_start3A_387 = tpu.memref_slice %arg2[%dma_start3A_385, %dma_start3A_386] : memref<10000x32xf32, #tpu.memory_space<hbm>> -> memref<10000x32xf32, #tpu.memory_space<hbm>>
      %dma_start3A_388 = tpu.memref_slice %arg12[%rem3A_333] : memref<2x!tpu.dma_semaphore, #tpu.memory_space<semaphore_mem>> -> memref<1x!tpu.dma_semaphore, #tpu.memory_space<semaphore_mem>>
      %dma_start3A_389 = tpu.memref_squeeze %dma_start3A_388 : memref<1x!tpu.dma_semaphore, #tpu.memory_space<semaphore_mem>> -> memref<!tpu.dma_semaphore, #tpu.memory_space<semaphore_mem>>
      tpu.enqueue_indirect_dma source(%dma_start3A_387 : memref<10000x32xf32, #tpu.memory_space<hbm>>) target(%dma_start3A_381 : memref<80x32xf32, #tpu.memory_space<vmem>>) offsets(%dma_start3A_384 : memref<80xi32, #tpu.memory_space<vmem>>) semaphore(%dma_start3A_389 : memref<!tpu.dma_semaphore, #tpu.memory_space<semaphore_mem>>)
      %dma_start3A_390 = arith.constant 0 : i32
      %dma_start3A_391 = arith.constant 0 : i32
      %dma_start3A_392 = tpu.memref_slice %arg11[%rem3A_333, %dma_start3A_390, %dma_start3A_391] : memref<2x400x32xf32, #tpu.memory_space<vmem>> -> memref<1x400x32xf32, #tpu.memory_space<vmem>>
      %dma_start3A_393 = tpu.memref_squeeze %dma_start3A_392 : memref<1x400x32xf32, #tpu.memory_space<vmem>> -> memref<400x32xf32, #tpu.memory_space<vmem>>
      %dma_start3A_394 = arith.constant 80 : i32
      %dma_start3A_395 = arith.constant 0 : i32
      %dma_start3A_396 = tpu.memref_slice %dma_start3A_393[%dma_start3A_394, %dma_start3A_395] : memref<400x32xf32, #tpu.memory_space<vmem>> -> memref<80x32xf32, #tpu.memory_space<vmem>>
      %dma_start3A_397 = arith.constant 0 : i32
      %dma_start3A_398 = tpu.memref_slice %arg9[%add3A_374, %dma_start3A_397] : memref<125x80xi32, #tpu.memory_space<vmem>> -> memref<1x80xi32, #tpu.memory_space<vmem>>
      %dma_start3A_399 = tpu.memref_squeeze %dma_start3A_398 : memref<1x80xi32, #tpu.memory_space<vmem>> -> memref<80xi32, #tpu.memory_space<vmem>>
      %dma_start3A_400 = arith.constant 0 : i32
      %dma_start3A_401 = arith.constant 0 : i32
      %dma_start3A_402 = tpu.memref_slice %arg3[%dma_start3A_400, %dma_start3A_401] : memref<10000x32xf32, #tpu.memory_space<hbm>> -> memref<10000x32xf32, #tpu.memory_space<hbm>>
      %dma_start3A_403 = tpu.memref_slice %arg13[%rem3A_333] : memref<2x!tpu.dma_semaphore, #tpu.memory_space<semaphore_mem>> -> memref<1x!tpu.dma_semaphore, #tpu.memory_space<semaphore_mem>>
      %dma_start3A_404 = tpu.memref_squeeze %dma_start3A_403 : memref<1x!tpu.dma_semaphore, #tpu.memory_space<semaphore_mem>> -> memref<!tpu.dma_semaphore, #tpu.memory_space<semaphore_mem>>
      tpu.enqueue_indirect_dma source(%dma_start3A_402 : memref<10000x32xf32, #tpu.memory_space<hbm>>) target(%dma_start3A_396 : memref<80x32xf32, #tpu.memory_space<vmem>>) offsets(%dma_start3A_399 : memref<80xi32, #tpu.memory_space<vmem>>) semaphore(%dma_start3A_404 : memref<!tpu.dma_semaphore, #tpu.memory_space<semaphore_mem>>)
      %mul3A_405 = arith.constant 5 : i32
      %mul3A_406 = arith.muli %scan3A_332, %mul3A_405 : i32
      %add3A_407 = arith.constant 2 : i32
      %add3A_408 = arith.addi %mul3A_406, %add3A_407 : i32
      %dma_start3A_409 = arith.constant 0 : i32
      %dma_start3A_410 = arith.constant 0 : i32
      %dma_start3A_411 = tpu.memref_slice %arg10[%rem3A_333, %dma_start3A_409, %dma_start3A_410] : memref<2x400x32xf32, #tpu.memory_space<vmem>> -> memref<1x400x32xf32, #tpu.memory_space<vmem>>
      %dma_start3A_412 = tpu.memref_squeeze %dma_start3A_411 : memref<1x400x32xf32, #tpu.memory_space<vmem>> -> memref<400x32xf32, #tpu.memory_space<vmem>>
      %dma_start3A_413 = arith.constant 160 : i32
      %dma_start3A_414 = arith.constant 0 : i32
      %dma_start3A_415 = tpu.memref_slice %dma_start3A_412[%dma_start3A_413, %dma_start3A_414] : memref<400x32xf32, #tpu.memory_space<vmem>> -> memref<80x32xf32, #tpu.memory_space<vmem>>
      %dma_start3A_416 = arith.constant 0 : i32
      %dma_start3A_417 = tpu.memref_slice %arg8[%add3A_408, %dma_start3A_416] : memref<125x80xi32, #tpu.memory_space<vmem>> -> memref<1x80xi32, #tpu.memory_space<vmem>>
      %dma_start3A_418 = tpu.memref_squeeze %dma_start3A_417 : memref<1x80xi32, #tpu.memory_space<vmem>> -> memref<80xi32, #tpu.memory_space<vmem>>
      %dma_start3A_419 = arith.constant 0 : i32
      %dma_start3A_420 = arith.constant 0 : i32
      %dma_start3A_421 = tpu.memref_slice %arg2[%dma_start3A_419, %dma_start3A_420] : memref<10000x32xf32, #tpu.memory_space<hbm>> -> memref<10000x32xf32, #tpu.memory_space<hbm>>
      %dma_start3A_422 = tpu.memref_slice %arg12[%rem3A_333] : memref<2x!tpu.dma_semaphore, #tpu.memory_space<semaphore_mem>> -> memref<1x!tpu.dma_semaphore, #tpu.memory_space<semaphore_mem>>
      %dma_start3A_423 = tpu.memref_squeeze %dma_start3A_422 : memref<1x!tpu.dma_semaphore, #tpu.memory_space<semaphore_mem>> -> memref<!tpu.dma_semaphore, #tpu.memory_space<semaphore_mem>>
      tpu.enqueue_indirect_dma source(%dma_start3A_421 : memref<10000x32xf32, #tpu.memory_space<hbm>>) target(%dma_start3A_415 : memref<80x32xf32, #tpu.memory_space<vmem>>) offsets(%dma_start3A_418 : memref<80xi32, #tpu.memory_space<vmem>>) semaphore(%dma_start3A_423 : memref<!tpu.dma_semaphore, #tpu.memory_space<semaphore_mem>>)
      %dma_start3A_424 = arith.constant 0 : i32
      %dma_start3A_425 = arith.constant 0 : i32
      %dma_start3A_426 = tpu.memref_slice %arg11[%rem3A_333, %dma_start3A_424, %dma_start3A_425] : memref<2x400x32xf32, #tpu.memory_space<vmem>> -> memref<1x400x32xf32, #tpu.memory_space<vmem>>
      %dma_start3A_427 = tpu.memref_squeeze %dma_start3A_426 : memref<1x400x32xf32, #tpu.memory_space<vmem>> -> memref<400x32xf32, #tpu.memory_space<vmem>>
      %dma_start3A_428 = arith.constant 160 : i32
      %dma_start3A_429 = arith.constant 0 : i32
      %dma_start3A_430 = tpu.memref_slice %dma_start3A_427[%dma_start3A_428, %dma_start3A_429] : memref<400x32xf32, #tpu.memory_space<vmem>> -> memref<80x32xf32, #tpu.memory_space<vmem>>
      %dma_start3A_431 = arith.constant 0 : i32
      %dma_start3A_432 = tpu.memref_slice %arg9[%add3A_408, %dma_start3A_431] : memref<125x80xi32, #tpu.memory_space<vmem>> -> memref<1x80xi32, #tpu.memory_space<vmem>>
      %dma_start3A_433 = tpu.memref_squeeze %dma_start3A_432 : memref<1x80xi32, #tpu.memory_space<vmem>> -> memref<80xi32, #tpu.memory_space<vmem>>
      %dma_start3A_434 = arith.constant 0 : i32
      %dma_start3A_435 = arith.constant 0 : i32
      %dma_start3A_436 = tpu.memref_slice %arg3[%dma_start3A_434, %dma_start3A_435] : memref<10000x32xf32, #tpu.memory_space<hbm>> -> memref<10000x32xf32, #tpu.memory_space<hbm>>
      %dma_start3A_437 = tpu.memref_slice %arg13[%rem3A_333] : memref<2x!tpu.dma_semaphore, #tpu.memory_space<semaphore_mem>> -> memref<1x!tpu.dma_semaphore, #tpu.memory_space<semaphore_mem>>
      %dma_start3A_438 = tpu.memref_squeeze %dma_start3A_437 : memref<1x!tpu.dma_semaphore, #tpu.memory_space<semaphore_mem>> -> memref<!tpu.dma_semaphore, #tpu.memory_space<semaphore_mem>>
      tpu.enqueue_indirect_dma source(%dma_start3A_436 : memref<10000x32xf32, #tpu.memory_space<hbm>>) target(%dma_start3A_430 : memref<80x32xf32, #tpu.memory_space<vmem>>) offsets(%dma_start3A_433 : memref<80xi32, #tpu.memory_space<vmem>>) semaphore(%dma_start3A_438 : memref<!tpu.dma_semaphore, #tpu.memory_space<semaphore_mem>>)
      %mul3A_439 = arith.constant 5 : i32
      %mul3A_440 = arith.muli %scan3A_332, %mul3A_439 : i32
      %add3A_441 = arith.constant 3 : i32
      %add3A_442 = arith.addi %mul3A_440, %add3A_441 : i32
      %dma_start3A_443 = arith.constant 0 : i32
      %dma_start3A_444 = arith.constant 0 : i32
      %dma_start3A_445 = tpu.memref_slice %arg10[%rem3A_333, %dma_start3A_443, %dma_start3A_444] : memref<2x400x32xf32, #tpu.memory_space<vmem>> -> memref<1x400x32xf32, #tpu.memory_space<vmem>>
      %dma_start3A_446 = tpu.memref_squeeze %dma_start3A_445 : memref<1x400x32xf32, #tpu.memory_space<vmem>> -> memref<400x32xf32, #tpu.memory_space<vmem>>
      %dma_start3A_447 = arith.constant 240 : i32
      %dma_start3A_448 = arith.constant 0 : i32
      %dma_start3A_449 = tpu.memref_slice %dma_start3A_446[%dma_start3A_447, %dma_start3A_448] : memref<400x32xf32, #tpu.memory_space<vmem>> -> memref<80x32xf32, #tpu.memory_space<vmem>>
      %dma_start3A_450 = arith.constant 0 : i32
      %dma_start3A_451 = tpu.memref_slice %arg8[%add3A_442, %dma_start3A_450] : memref<125x80xi32, #tpu.memory_space<vmem>> -> memref<1x80xi32, #tpu.memory_space<vmem>>
      %dma_start3A_452 = tpu.memref_squeeze %dma_start3A_451 : memref<1x80xi32, #tpu.memory_space<vmem>> -> memref<80xi32, #tpu.memory_space<vmem>>
      %dma_start3A_453 = arith.constant 0 : i32
      %dma_start3A_454 = arith.constant 0 : i32
      %dma_start3A_455 = tpu.memref_slice %arg2[%dma_start3A_453, %dma_start3A_454] : memref<10000x32xf32, #tpu.memory_space<hbm>> -> memref<10000x32xf32, #tpu.memory_space<hbm>>
      %dma_start3A_456 = tpu.memref_slice %arg12[%rem3A_333] : memref<2x!tpu.dma_semaphore, #tpu.memory_space<semaphore_mem>> -> memref<1x!tpu.dma_semaphore, #tpu.memory_space<semaphore_mem>>
      %dma_start3A_457 = tpu.memref_squeeze %dma_start3A_456 : memref<1x!tpu.dma_semaphore, #tpu.memory_space<semaphore_mem>> -> memref<!tpu.dma_semaphore, #tpu.memory_space<semaphore_mem>>
      tpu.enqueue_indirect_dma source(%dma_start3A_455 : memref<10000x32xf32, #tpu.memory_space<hbm>>) target(%dma_start3A_449 : memref<80x32xf32, #tpu.memory_space<vmem>>) offsets(%dma_start3A_452 : memref<80xi32, #tpu.memory_space<vmem>>) semaphore(%dma_start3A_457 : memref<!tpu.dma_semaphore, #tpu.memory_space<semaphore_mem>>)
      %dma_start3A_458 = arith.constant 0 : i32
      %dma_start3A_459 = arith.constant 0 : i32
      %dma_start3A_460 = tpu.memref_slice %arg11[%rem3A_333, %dma_start3A_458, %dma_start3A_459] : memref<2x400x32xf32, #tpu.memory_space<vmem>> -> memref<1x400x32xf32, #tpu.memory_space<vmem>>
      %dma_start3A_461 = tpu.memref_squeeze %dma_start3A_460 : memref<1x400x32xf32, #tpu.memory_space<vmem>> -> memref<400x32xf32, #tpu.memory_space<vmem>>
      %dma_start3A_462 = arith.constant 240 : i32
      %dma_start3A_463 = arith.constant 0 : i32
      %dma_start3A_464 = tpu.memref_slice %dma_start3A_461[%dma_start3A_462, %dma_start3A_463] : memref<400x32xf32, #tpu.memory_space<vmem>> -> memref<80x32xf32, #tpu.memory_space<vmem>>
      %dma_start3A_465 = arith.constant 0 : i32
      %dma_start3A_466 = tpu.memref_slice %arg9[%add3A_442, %dma_start3A_465] : memref<125x80xi32, #tpu.memory_space<vmem>> -> memref<1x80xi32, #tpu.memory_space<vmem>>
      %dma_start3A_467 = tpu.memref_squeeze %dma_start3A_466 : memref<1x80xi32, #tpu.memory_space<vmem>> -> memref<80xi32, #tpu.memory_space<vmem>>
      %dma_start3A_468 = arith.constant 0 : i32
      %dma_start3A_469 = arith.constant 0 : i32
      %dma_start3A_470 = tpu.memref_slice %arg3[%dma_start3A_468, %dma_start3A_469] : memref<10000x32xf32, #tpu.memory_space<hbm>> -> memref<10000x32xf32, #tpu.memory_space<hbm>>
      %dma_start3A_471 = tpu.memref_slice %arg13[%rem3A_333] : memref<2x!tpu.dma_semaphore, #tpu.memory_space<semaphore_mem>> -> memref<1x!tpu.dma_semaphore, #tpu.memory_space<semaphore_mem>>
      %dma_start3A_472 = tpu.memref_squeeze %dma_start3A_471 : memref<1x!tpu.dma_semaphore, #tpu.memory_space<semaphore_mem>> -> memref<!tpu.dma_semaphore, #tpu.memory_space<semaphore_mem>>
      tpu.enqueue_indirect_dma source(%dma_start3A_470 : memref<10000x32xf32, #tpu.memory_space<hbm>>) target(%dma_start3A_464 : memref<80x32xf32, #tpu.memory_space<vmem>>) offsets(%dma_start3A_467 : memref<80xi32, #tpu.memory_space<vmem>>) semaphore(%dma_start3A_472 : memref<!tpu.dma_semaphore, #tpu.memory_space<semaphore_mem>>)
      %mul3A_473 = arith.constant 5 : i32
      %mul3A_474 = arith.muli %scan3A_332, %mul3A_473 : i32
      %add3A_475 = arith.constant 4 : i32
      %add3A_476 = arith.addi %mul3A_474, %add3A_475 : i32
      %dma_start3A_477 = arith.constant 0 : i32
      %dma_start3A_478 = arith.constant 0 : i32
      %dma_start3A_479 = tpu.memref_slice %arg10[%rem3A_333, %dma_start3A_477, %dma_start3A_478] : memref<2x400x32xf32, #tpu.memory_space<vmem>> -> memref<1x400x32xf32, #tpu.memory_space<vmem>>
      %dma_start3A_480 = tpu.memref_squeeze %dma_start3A_479 : memref<1x400x32xf32, #tpu.memory_space<vmem>> -> memref<400x32xf32, #tpu.memory_space<vmem>>
      %dma_start3A_481 = arith.constant 320 : i32
      %dma_start3A_482 = arith.constant 0 : i32
      %dma_start3A_483 = tpu.memref_slice %dma_start3A_480[%dma_start3A_481, %dma_start3A_482] : memref<400x32xf32, #tpu.memory_space<vmem>> -> memref<80x32xf32, #tpu.memory_space<vmem>>
      %dma_start3A_484 = arith.constant 0 : i32
      %dma_start3A_485 = tpu.memref_slice %arg8[%add3A_476, %dma_start3A_484] : memref<125x80xi32, #tpu.memory_space<vmem>> -> memref<1x80xi32, #tpu.memory_space<vmem>>
      %dma_start3A_486 = tpu.memref_squeeze %dma_start3A_485 : memref<1x80xi32, #tpu.memory_space<vmem>> -> memref<80xi32, #tpu.memory_space<vmem>>
      %dma_start3A_487 = arith.constant 0 : i32
      %dma_start3A_488 = arith.constant 0 : i32
      %dma_start3A_489 = tpu.memref_slice %arg2[%dma_start3A_487, %dma_start3A_488] : memref<10000x32xf32, #tpu.memory_space<hbm>> -> memref<10000x32xf32, #tpu.memory_space<hbm>>
      %dma_start3A_490 = tpu.memref_slice %arg12[%rem3A_333] : memref<2x!tpu.dma_semaphore, #tpu.memory_space<semaphore_mem>> -> memref<1x!tpu.dma_semaphore, #tpu.memory_space<semaphore_mem>>
      %dma_start3A_491 = tpu.memref_squeeze %dma_start3A_490 : memref<1x!tpu.dma_semaphore, #tpu.memory_space<semaphore_mem>> -> memref<!tpu.dma_semaphore, #tpu.memory_space<semaphore_mem>>
      tpu.enqueue_indirect_dma source(%dma_start3A_489 : memref<10000x32xf32, #tpu.memory_space<hbm>>) target(%dma_start3A_483 : memref<80x32xf32, #tpu.memory_space<vmem>>) offsets(%dma_start3A_486 : memref<80xi32, #tpu.memory_space<vmem>>) semaphore(%dma_start3A_491 : memref<!tpu.dma_semaphore, #tpu.memory_space<semaphore_mem>>)
      %dma_start3A_492 = arith.constant 0 : i32
      %dma_start3A_493 = arith.constant 0 : i32
      %dma_start3A_494 = tpu.memref_slice %arg11[%rem3A_333, %dma_start3A_492, %dma_start3A_493] : memref<2x400x32xf32, #tpu.memory_space<vmem>> -> memref<1x400x32xf32, #tpu.memory_space<vmem>>
      %dma_start3A_495 = tpu.memref_squeeze %dma_start3A_494 : memref<1x400x32xf32, #tpu.memory_space<vmem>> -> memref<400x32xf32, #tpu.memory_space<vmem>>
      %dma_start3A_496 = arith.constant 320 : i32
      %dma_start3A_497 = arith.constant 0 : i32
      %dma_start3A_498 = tpu.memref_slice %dma_start3A_495[%dma_start3A_496, %dma_start3A_497] : memref<400x32xf32, #tpu.memory_space<vmem>> -> memref<80x32xf32, #tpu.memory_space<vmem>>
      %dma_start3A_499 = arith.constant 0 : i32
      %dma_start3A_500 = tpu.memref_slice %arg9[%add3A_476, %dma_start3A_499] : memref<125x80xi32, #tpu.memory_space<vmem>> -> memref<1x80xi32, #tpu.memory_space<vmem>>
      %dma_start3A_501 = tpu.memref_squeeze %dma_start3A_500 : memref<1x80xi32, #tpu.memory_space<vmem>> -> memref<80xi32, #tpu.memory_space<vmem>>
      %dma_start3A_502 = arith.constant 0 : i32
      %dma_start3A_503 = arith.constant 0 : i32
      %dma_start3A_504 = tpu.memref_slice %arg3[%dma_start3A_502, %dma_start3A_503] : memref<10000x32xf32, #tpu.memory_space<hbm>> -> memref<10000x32xf32, #tpu.memory_space<hbm>>
      %dma_start3A_505 = tpu.memref_slice %arg13[%rem3A_333] : memref<2x!tpu.dma_semaphore, #tpu.memory_space<semaphore_mem>> -> memref<1x!tpu.dma_semaphore, #tpu.memory_space<semaphore_mem>>
      %dma_start3A_506 = tpu.memref_squeeze %dma_start3A_505 : memref<1x!tpu.dma_semaphore, #tpu.memory_space<semaphore_mem>> -> memref<!tpu.dma_semaphore, #tpu.memory_space<semaphore_mem>>
      tpu.enqueue_indirect_dma source(%dma_start3A_504 : memref<10000x32xf32, #tpu.memory_space<hbm>>) target(%dma_start3A_498 : memref<80x32xf32, #tpu.memory_space<vmem>>) offsets(%dma_start3A_501 : memref<80xi32, #tpu.memory_space<vmem>>) semaphore(%dma_start3A_506 : memref<!tpu.dma_semaphore, #tpu.memory_space<semaphore_mem>>)
      %dma_wait3A_507 = arith.constant 0 : i32
      %dma_wait3A_508 = arith.constant 0 : i32
      %dma_wait3A_509 = tpu.memref_slice %arg10[%sub3A_334, %dma_wait3A_507, %dma_wait3A_508] : memref<2x400x32xf32, #tpu.memory_space<vmem>> -> memref<1x400x32xf32, #tpu.memory_space<vmem>>
      %dma_wait3A_510 = tpu.memref_squeeze %dma_wait3A_509 : memref<1x400x32xf32, #tpu.memory_space<vmem>> -> memref<400x32xf32, #tpu.memory_space<vmem>>
      %dma_wait3A_511 = arith.constant 0 : i32
      %dma_wait3A_512 = arith.constant 0 : i32
      %dma_wait3A_513 = tpu.memref_slice %arg2[%dma_wait3A_511, %dma_wait3A_512] : memref<10000x32xf32, #tpu.memory_space<hbm>> -> memref<400x32xf32, #tpu.memory_space<hbm>>
      %dma_wait3A_514 = tpu.memref_slice %arg12[%sub3A_334] : memref<2x!tpu.dma_semaphore, #tpu.memory_space<semaphore_mem>> -> memref<1x!tpu.dma_semaphore, #tpu.memory_space<semaphore_mem>>
      %dma_wait3A_515 = tpu.memref_squeeze %dma_wait3A_514 : memref<1x!tpu.dma_semaphore, #tpu.memory_space<semaphore_mem>> -> memref<!tpu.dma_semaphore, #tpu.memory_space<semaphore_mem>>
      %dma_wait3A_516 = arith.constant 0 : i32
      %dma_wait3A_517 = arith.constant 0 : i32
      %dma_wait3A_518 = tpu.memref_slice %arg10[%sub3A_334, %dma_wait3A_516, %dma_wait3A_517] : memref<2x400x32xf32, #tpu.memory_space<vmem>> -> memref<1x400x32xf32, #tpu.memory_space<vmem>>
      %dma_wait3A_519 = tpu.memref_squeeze %dma_wait3A_518 : memref<1x400x32xf32, #tpu.memory_space<vmem>> -> memref<400x32xf32, #tpu.memory_space<vmem>>
      %dma_wait3A_520 = arith.constant 0 : i32
      %dma_wait3A_521 = arith.constant 0 : i32
      %dma_wait3A_522 = tpu.memref_slice %arg2[%dma_wait3A_520, %dma_wait3A_521] : memref<10000x32xf32, #tpu.memory_space<hbm>> -> memref<400x32xf32, #tpu.memory_space<hbm>>
      tpu.wait_dma2 semaphore(%dma_wait3A_515 : memref<!tpu.dma_semaphore, #tpu.memory_space<semaphore_mem>>) src(%dma_wait3A_522 : memref<400x32xf32, #tpu.memory_space<hbm>>) dst(%dma_wait3A_519 : memref<400x32xf32, #tpu.memory_space<vmem>>)
      %dma_wait3A_523 = arith.constant 0 : i32
      %dma_wait3A_524 = arith.constant 0 : i32
      %dma_wait3A_525 = tpu.memref_slice %arg11[%sub3A_334, %dma_wait3A_523, %dma_wait3A_524] : memref<2x400x32xf32, #tpu.memory_space<vmem>> -> memref<1x400x32xf32, #tpu.memory_space<vmem>>
      %dma_wait3A_526 = tpu.memref_squeeze %dma_wait3A_525 : memref<1x400x32xf32, #tpu.memory_space<vmem>> -> memref<400x32xf32, #tpu.memory_space<vmem>>
      %dma_wait3A_527 = arith.constant 0 : i32
      %dma_wait3A_528 = arith.constant 0 : i32
      %dma_wait3A_529 = tpu.memref_slice %arg3[%dma_wait3A_527, %dma_wait3A_528] : memref<10000x32xf32, #tpu.memory_space<hbm>> -> memref<400x32xf32, #tpu.memory_space<hbm>>
      %dma_wait3A_530 = tpu.memref_slice %arg13[%sub3A_334] : memref<2x!tpu.dma_semaphore, #tpu.memory_space<semaphore_mem>> -> memref<1x!tpu.dma_semaphore, #tpu.memory_space<semaphore_mem>>
      %dma_wait3A_531 = tpu.memref_squeeze %dma_wait3A_530 : memref<1x!tpu.dma_semaphore, #tpu.memory_space<semaphore_mem>> -> memref<!tpu.dma_semaphore, #tpu.memory_space<semaphore_mem>>
      %dma_wait3A_532 = arith.constant 0 : i32
      %dma_wait3A_533 = arith.constant 0 : i32
      %dma_wait3A_534 = tpu.memref_slice %arg11[%sub3A_334, %dma_wait3A_532, %dma_wait3A_533] : memref<2x400x32xf32, #tpu.memory_space<vmem>> -> memref<1x400x32xf32, #tpu.memory_space<vmem>>
      %dma_wait3A_535 = tpu.memref_squeeze %dma_wait3A_534 : memref<1x400x32xf32, #tpu.memory_space<vmem>> -> memref<400x32xf32, #tpu.memory_space<vmem>>
      %dma_wait3A_536 = arith.constant 0 : i32
      %dma_wait3A_537 = arith.constant 0 : i32
      %dma_wait3A_538 = tpu.memref_slice %arg3[%dma_wait3A_536, %dma_wait3A_537] : memref<10000x32xf32, #tpu.memory_space<hbm>> -> memref<400x32xf32, #tpu.memory_space<hbm>>
      tpu.wait_dma2 semaphore(%dma_wait3A_531 : memref<!tpu.dma_semaphore, #tpu.memory_space<semaphore_mem>>) src(%dma_wait3A_538 : memref<400x32xf32, #tpu.memory_space<hbm>>) dst(%dma_wait3A_535 : memref<400x32xf32, #tpu.memory_space<vmem>>)
      %sub3A_539 = arith.constant 1 : i32
      %sub3A_540 = arith.subi %scan3A_332, %sub3A_539 : i32
      %mul3A_541 = arith.constant 400 : i32
      %mul3A_542 = arith.muli %sub3A_540, %mul3A_541 : i32
      %add3A_543 = arith.addi %mul3A_2, %mul3A_542 : i32
      %dma_start3A_544 = arith.constant 0 : i32
      %dma_start3A_545 = arith.constant 0 : i32
      %dma_start3A_546 = tpu.memref_slice %arg10[%sub3A_334, %dma_start3A_544, %dma_start3A_545] : memref<2x400x32xf32, #tpu.memory_space<vmem>> -> memref<1x400x32xf32, #tpu.memory_space<vmem>>
      %dma_start3A_547 = tpu.memref_squeeze %dma_start3A_546 : memref<1x400x32xf32, #tpu.memory_space<vmem>> -> memref<400x32xf32, #tpu.memory_space<vmem>>
      %dma_start3A_548 = arith.constant 0 : i32
      %dma_start3A_549 = tpu.memref_slice %arg6[%add3A_543, %dma_start3A_548] : memref<320000x32xf32, #tpu.memory_space<hbm>> -> memref<400x32xf32, #tpu.memory_space<hbm>>
      %dma_start3A_550 = tpu.memref_slice %arg14[%sub3A_334] : memref<2x!tpu.dma_semaphore, #tpu.memory_space<semaphore_mem>> -> memref<1x!tpu.dma_semaphore, #tpu.memory_space<semaphore_mem>>
      %dma_start3A_551 = tpu.memref_squeeze %dma_start3A_550 : memref<1x!tpu.dma_semaphore, #tpu.memory_space<semaphore_mem>> -> memref<!tpu.dma_semaphore, #tpu.memory_space<semaphore_mem>>
      %dma_start3A_552 = arith.constant 0 : i32
      %dma_start3A_553 = tpu.memref_slice %arg6[%add3A_543, %dma_start3A_552] : memref<320000x32xf32, #tpu.memory_space<hbm>> -> memref<400x32xf32, #tpu.memory_space<hbm>>
      %dma_start3A_554 = arith.constant 0 : i32
      %dma_start3A_555 = arith.constant 0 : i32
      %dma_start3A_556 = tpu.memref_slice %arg10[%sub3A_334, %dma_start3A_554, %dma_start3A_555] : memref<2x400x32xf32, #tpu.memory_space<vmem>> -> memref<1x400x32xf32, #tpu.memory_space<vmem>>
      %dma_start3A_557 = tpu.memref_squeeze %dma_start3A_556 : memref<1x400x32xf32, #tpu.memory_space<vmem>> -> memref<400x32xf32, #tpu.memory_space<vmem>>
      tpu.enqueue_dma source(%dma_start3A_557 : memref<400x32xf32, #tpu.memory_space<vmem>>) target(%dma_start3A_553 : memref<400x32xf32, #tpu.memory_space<hbm>>) target_semaphore(%dma_start3A_551 : memref<!tpu.dma_semaphore, #tpu.memory_space<semaphore_mem>>)
      %dma_start3A_558 = arith.constant 0 : i32
      %dma_start3A_559 = arith.constant 0 : i32
      %dma_start3A_560 = tpu.memref_slice %arg11[%sub3A_334, %dma_start3A_558, %dma_start3A_559] : memref<2x400x32xf32, #tpu.memory_space<vmem>> -> memref<1x400x32xf32, #tpu.memory_space<vmem>>
      %dma_start3A_561 = tpu.memref_squeeze %dma_start3A_560 : memref<1x400x32xf32, #tpu.memory_space<vmem>> -> memref<400x32xf32, #tpu.memory_space<vmem>>
      %dma_start3A_562 = arith.constant 0 : i32
      %dma_start3A_563 = tpu.memref_slice %arg7[%add3A_543, %dma_start3A_562] : memref<320000x32xf32, #tpu.memory_space<hbm>> -> memref<400x32xf32, #tpu.memory_space<hbm>>
      %dma_start3A_564 = tpu.memref_slice %arg15[%sub3A_334] : memref<2x!tpu.dma_semaphore, #tpu.memory_space<semaphore_mem>> -> memref<1x!tpu.dma_semaphore, #tpu.memory_space<semaphore_mem>>
      %dma_start3A_565 = tpu.memref_squeeze %dma_start3A_564 : memref<1x!tpu.dma_semaphore, #tpu.memory_space<semaphore_mem>> -> memref<!tpu.dma_semaphore, #tpu.memory_space<semaphore_mem>>
      %dma_start3A_566 = arith.constant 0 : i32
      %dma_start3A_567 = tpu.memref_slice %arg7[%add3A_543, %dma_start3A_566] : memref<320000x32xf32, #tpu.memory_space<hbm>> -> memref<400x32xf32, #tpu.memory_space<hbm>>
      %dma_start3A_568 = arith.constant 0 : i32
      %dma_start3A_569 = arith.constant 0 : i32
      %dma_start3A_570 = tpu.memref_slice %arg11[%sub3A_334, %dma_start3A_568, %dma_start3A_569] : memref<2x400x32xf32, #tpu.memory_space<vmem>> -> memref<1x400x32xf32, #tpu.memory_space<vmem>>
      %dma_start3A_571 = tpu.memref_squeeze %dma_start3A_570 : memref<1x400x32xf32, #tpu.memory_space<vmem>> -> memref<400x32xf32, #tpu.memory_space<vmem>>
      tpu.enqueue_dma source(%dma_start3A_571 : memref<400x32xf32, #tpu.memory_space<vmem>>) target(%dma_start3A_567 : memref<400x32xf32, #tpu.memory_space<hbm>>) target_semaphore(%dma_start3A_565 : memref<!tpu.dma_semaphore, #tpu.memory_space<semaphore_mem>>)
    }
    %scan3A_190 = arith.constant 24 : i32
    %dma_wait3A = arith.constant 0 : i32
    %dma_wait3A_191 = arith.constant 0 : i32
    %dma_wait3A_192 = arith.constant 0 : i32
    %dma_wait3A_193 = arith.constant 0 : i32
    %dma_wait3A_194 = tpu.memref_slice %arg10[%dma_wait3A, %dma_wait3A_192, %dma_wait3A_193] : memref<2x400x32xf32, #tpu.memory_space<vmem>> -> memref<1x400x32xf32, #tpu.memory_space<vmem>>
    %dma_wait3A_195 = tpu.memref_squeeze %dma_wait3A_194 : memref<1x400x32xf32, #tpu.memory_space<vmem>> -> memref<400x32xf32, #tpu.memory_space<vmem>>
    %dma_wait3A_196 = arith.constant 0 : i32
    %dma_wait3A_197 = arith.constant 0 : i32
    %dma_wait3A_198 = tpu.memref_slice %arg2[%dma_wait3A_196, %dma_wait3A_197] : memref<10000x32xf32, #tpu.memory_space<hbm>> -> memref<400x32xf32, #tpu.memory_space<hbm>>
    %dma_wait3A_199 = tpu.memref_slice %arg12[%dma_wait3A_191] : memref<2x!tpu.dma_semaphore, #tpu.memory_space<semaphore_mem>> -> memref<1x!tpu.dma_semaphore, #tpu.memory_space<semaphore_mem>>
    %dma_wait3A_200 = tpu.memref_squeeze %dma_wait3A_199 : memref<1x!tpu.dma_semaphore, #tpu.memory_space<semaphore_mem>> -> memref<!tpu.dma_semaphore, #tpu.memory_space<semaphore_mem>>
    %dma_wait3A_201 = arith.constant 0 : i32
    %dma_wait3A_202 = arith.constant 0 : i32
    %dma_wait3A_203 = tpu.memref_slice %arg10[%dma_wait3A, %dma_wait3A_201, %dma_wait3A_202] : memref<2x400x32xf32, #tpu.memory_space<vmem>> -> memref<1x400x32xf32, #tpu.memory_space<vmem>>
    %dma_wait3A_204 = tpu.memref_squeeze %dma_wait3A_203 : memref<1x400x32xf32, #tpu.memory_space<vmem>> -> memref<400x32xf32, #tpu.memory_space<vmem>>
    %dma_wait3A_205 = arith.constant 0 : i32
    %dma_wait3A_206 = arith.constant 0 : i32
    %dma_wait3A_207 = tpu.memref_slice %arg2[%dma_wait3A_205, %dma_wait3A_206] : memref<10000x32xf32, #tpu.memory_space<hbm>> -> memref<400x32xf32, #tpu.memory_space<hbm>>
    tpu.wait_dma2 semaphore(%dma_wait3A_200 : memref<!tpu.dma_semaphore, #tpu.memory_space<semaphore_mem>>) src(%dma_wait3A_207 : memref<400x32xf32, #tpu.memory_space<hbm>>) dst(%dma_wait3A_204 : memref<400x32xf32, #tpu.memory_space<vmem>>)
    %dma_wait3A_208 = arith.constant 0 : i32
    %dma_wait3A_209 = arith.constant 0 : i32
    %dma_wait3A_210 = arith.constant 0 : i32
    %dma_wait3A_211 = arith.constant 0 : i32
    %dma_wait3A_212 = tpu.memref_slice %arg11[%dma_wait3A_208, %dma_wait3A_210, %dma_wait3A_211] : memref<2x400x32xf32, #tpu.memory_space<vmem>> -> memref<1x400x32xf32, #tpu.memory_space<vmem>>
    %dma_wait3A_213 = tpu.memref_squeeze %dma_wait3A_212 : memref<1x400x32xf32, #tpu.memory_space<vmem>> -> memref<400x32xf32, #tpu.memory_space<vmem>>
    %dma_wait3A_214 = arith.constant 0 : i32
    %dma_wait3A_215 = arith.constant 0 : i32
    %dma_wait3A_216 = tpu.memref_slice %arg3[%dma_wait3A_214, %dma_wait3A_215] : memref<10000x32xf32, #tpu.memory_space<hbm>> -> memref<400x32xf32, #tpu.memory_space<hbm>>
    %dma_wait3A_217 = tpu.memref_slice %arg13[%dma_wait3A_209] : memref<2x!tpu.dma_semaphore, #tpu.memory_space<semaphore_mem>> -> memref<1x!tpu.dma_semaphore, #tpu.memory_space<semaphore_mem>>
    %dma_wait3A_218 = tpu.memref_squeeze %dma_wait3A_217 : memref<1x!tpu.dma_semaphore, #tpu.memory_space<semaphore_mem>> -> memref<!tpu.dma_semaphore, #tpu.memory_space<semaphore_mem>>
    %dma_wait3A_219 = arith.constant 0 : i32
    %dma_wait3A_220 = arith.constant 0 : i32
    %dma_wait3A_221 = tpu.memref_slice %arg11[%dma_wait3A_208, %dma_wait3A_219, %dma_wait3A_220] : memref<2x400x32xf32, #tpu.memory_space<vmem>> -> memref<1x400x32xf32, #tpu.memory_space<vmem>>
    %dma_wait3A_222 = tpu.memref_squeeze %dma_wait3A_221 : memref<1x400x32xf32, #tpu.memory_space<vmem>> -> memref<400x32xf32, #tpu.memory_space<vmem>>
    %dma_wait3A_223 = arith.constant 0 : i32
    %dma_wait3A_224 = arith.constant 0 : i32
    %dma_wait3A_225 = tpu.memref_slice %arg3[%dma_wait3A_223, %dma_wait3A_224] : memref<10000x32xf32, #tpu.memory_space<hbm>> -> memref<400x32xf32, #tpu.memory_space<hbm>>
    tpu.wait_dma2 semaphore(%dma_wait3A_218 : memref<!tpu.dma_semaphore, #tpu.memory_space<semaphore_mem>>) src(%dma_wait3A_225 : memref<400x32xf32, #tpu.memory_space<hbm>>) dst(%dma_wait3A_222 : memref<400x32xf32, #tpu.memory_space<vmem>>)
    %add3A_226 = arith.constant 9600 : i32
    %add3A_227 = arith.addi %mul3A_2, %add3A_226 : i32
    %dma_start3A_228 = arith.constant 0 : i32
    %dma_start3A_229 = arith.constant 0 : i32
    %dma_start3A_230 = arith.constant 0 : i32
    %dma_start3A_231 = arith.constant 0 : i32
    %dma_start3A_232 = tpu.memref_slice %arg10[%dma_start3A_228, %dma_start3A_230, %dma_start3A_231] : memref<2x400x32xf32, #tpu.memory_space<vmem>> -> memref<1x400x32xf32, #tpu.memory_space<vmem>>
    %dma_start3A_233 = tpu.memref_squeeze %dma_start3A_232 : memref<1x400x32xf32, #tpu.memory_space<vmem>> -> memref<400x32xf32, #tpu.memory_space<vmem>>
    %dma_start3A_234 = arith.constant 0 : i32
    %dma_start3A_235 = tpu.memref_slice %arg6[%add3A_227, %dma_start3A_234] : memref<320000x32xf32, #tpu.memory_space<hbm>> -> memref<400x32xf32, #tpu.memory_space<hbm>>
    %dma_start3A_236 = tpu.memref_slice %arg14[%dma_start3A_229] : memref<2x!tpu.dma_semaphore, #tpu.memory_space<semaphore_mem>> -> memref<1x!tpu.dma_semaphore, #tpu.memory_space<semaphore_mem>>
    %dma_start3A_237 = tpu.memref_squeeze %dma_start3A_236 : memref<1x!tpu.dma_semaphore, #tpu.memory_space<semaphore_mem>> -> memref<!tpu.dma_semaphore, #tpu.memory_space<semaphore_mem>>
    %dma_start3A_238 = arith.constant 0 : i32
    %dma_start3A_239 = tpu.memref_slice %arg6[%add3A_227, %dma_start3A_238] : memref<320000x32xf32, #tpu.memory_space<hbm>> -> memref<400x32xf32, #tpu.memory_space<hbm>>
    %dma_start3A_240 = arith.constant 0 : i32
    %dma_start3A_241 = arith.constant 0 : i32
    %dma_start3A_242 = tpu.memref_slice %arg10[%dma_start3A_228, %dma_start3A_240, %dma_start3A_241] : memref<2x400x32xf32, #tpu.memory_space<vmem>> -> memref<1x400x32xf32, #tpu.memory_space<vmem>>
    %dma_start3A_243 = tpu.memref_squeeze %dma_start3A_242 : memref<1x400x32xf32, #tpu.memory_space<vmem>> -> memref<400x32xf32, #tpu.memory_space<vmem>>
    tpu.enqueue_dma source(%dma_start3A_243 : memref<400x32xf32, #tpu.memory_space<vmem>>) target(%dma_start3A_239 : memref<400x32xf32, #tpu.memory_space<hbm>>) target_semaphore(%dma_start3A_237 : memref<!tpu.dma_semaphore, #tpu.memory_space<semaphore_mem>>)
    %dma_start3A_244 = arith.constant 0 : i32
    %dma_start3A_245 = arith.constant 0 : i32
    %dma_start3A_246 = arith.constant 0 : i32
    %dma_start3A_247 = arith.constant 0 : i32
    %dma_start3A_248 = tpu.memref_slice %arg11[%dma_start3A_244, %dma_start3A_246, %dma_start3A_247] : memref<2x400x32xf32, #tpu.memory_space<vmem>> -> memref<1x400x32xf32, #tpu.memory_space<vmem>>
    %dma_start3A_249 = tpu.memref_squeeze %dma_start3A_248 : memref<1x400x32xf32, #tpu.memory_space<vmem>> -> memref<400x32xf32, #tpu.memory_space<vmem>>
    %dma_start3A_250 = arith.constant 0 : i32
    %dma_start3A_251 = tpu.memref_slice %arg7[%add3A_227, %dma_start3A_250] : memref<320000x32xf32, #tpu.memory_space<hbm>> -> memref<400x32xf32, #tpu.memory_space<hbm>>
    %dma_start3A_252 = tpu.memref_slice %arg15[%dma_start3A_245] : memref<2x!tpu.dma_semaphore, #tpu.memory_space<semaphore_mem>> -> memref<1x!tpu.dma_semaphore, #tpu.memory_space<semaphore_mem>>
    %dma_start3A_253 = tpu.memref_squeeze %dma_start3A_252 : memref<1x!tpu.dma_semaphore, #tpu.memory_space<semaphore_mem>> -> memref<!tpu.dma_semaphore, #tpu.memory_space<semaphore_mem>>
    %dma_start3A_254 = arith.constant 0 : i32
    %dma_start3A_255 = tpu.memref_slice %arg7[%add3A_227, %dma_start3A_254] : memref<320000x32xf32, #tpu.memory_space<hbm>> -> memref<400x32xf32, #tpu.memory_space<hbm>>
    %dma_start3A_256 = arith.constant 0 : i32
    %dma_start3A_257 = arith.constant 0 : i32
    %dma_start3A_258 = tpu.memref_slice %arg11[%dma_start3A_244, %dma_start3A_256, %dma_start3A_257] : memref<2x400x32xf32, #tpu.memory_space<vmem>> -> memref<1x400x32xf32, #tpu.memory_space<vmem>>
    %dma_start3A_259 = tpu.memref_squeeze %dma_start3A_258 : memref<1x400x32xf32, #tpu.memory_space<vmem>> -> memref<400x32xf32, #tpu.memory_space<vmem>>
    tpu.enqueue_dma source(%dma_start3A_259 : memref<400x32xf32, #tpu.memory_space<vmem>>) target(%dma_start3A_255 : memref<400x32xf32, #tpu.memory_space<hbm>>) target_semaphore(%dma_start3A_253 : memref<!tpu.dma_semaphore, #tpu.memory_space<semaphore_mem>>)
    %dma_wait3A_260 = arith.constant 1 : i32
    %dma_wait3A_261 = arith.constant 1 : i32
    %dma_wait3A_262 = arith.constant 0 : i32
    %dma_wait3A_263 = arith.constant 0 : i32
    %dma_wait3A_264 = tpu.memref_slice %arg10[%dma_wait3A_260, %dma_wait3A_262, %dma_wait3A_263] : memref<2x400x32xf32, #tpu.memory_space<vmem>> -> memref<1x400x32xf32, #tpu.memory_space<vmem>>
    %dma_wait3A_265 = tpu.memref_squeeze %dma_wait3A_264 : memref<1x400x32xf32, #tpu.memory_space<vmem>> -> memref<400x32xf32, #tpu.memory_space<vmem>>
    %dma_wait3A_266 = arith.constant 0 : i32
    %dma_wait3A_267 = arith.constant 0 : i32
    %dma_wait3A_268 = tpu.memref_slice %arg6[%dma_wait3A_266, %dma_wait3A_267] : memref<320000x32xf32, #tpu.memory_space<hbm>> -> memref<400x32xf32, #tpu.memory_space<hbm>>
    %dma_wait3A_269 = tpu.memref_slice %arg14[%dma_wait3A_261] : memref<2x!tpu.dma_semaphore, #tpu.memory_space<semaphore_mem>> -> memref<1x!tpu.dma_semaphore, #tpu.memory_space<semaphore_mem>>
    %dma_wait3A_270 = tpu.memref_squeeze %dma_wait3A_269 : memref<1x!tpu.dma_semaphore, #tpu.memory_space<semaphore_mem>> -> memref<!tpu.dma_semaphore, #tpu.memory_space<semaphore_mem>>
    %dma_wait3A_271 = arith.constant 0 : i32
    %dma_wait3A_272 = arith.constant 0 : i32
    %dma_wait3A_273 = tpu.memref_slice %arg6[%dma_wait3A_271, %dma_wait3A_272] : memref<320000x32xf32, #tpu.memory_space<hbm>> -> memref<400x32xf32, #tpu.memory_space<hbm>>
    %dma_wait3A_274 = arith.constant 0 : i32
    %dma_wait3A_275 = arith.constant 0 : i32
    %dma_wait3A_276 = tpu.memref_slice %arg10[%dma_wait3A_260, %dma_wait3A_274, %dma_wait3A_275] : memref<2x400x32xf32, #tpu.memory_space<vmem>> -> memref<1x400x32xf32, #tpu.memory_space<vmem>>
    %dma_wait3A_277 = tpu.memref_squeeze %dma_wait3A_276 : memref<1x400x32xf32, #tpu.memory_space<vmem>> -> memref<400x32xf32, #tpu.memory_space<vmem>>
    tpu.wait_dma2 semaphore(%dma_wait3A_270 : memref<!tpu.dma_semaphore, #tpu.memory_space<semaphore_mem>>) src(%dma_wait3A_277 : memref<400x32xf32, #tpu.memory_space<vmem>>) dst(%dma_wait3A_273 : memref<400x32xf32, #tpu.memory_space<hbm>>)
    %dma_wait3A_278 = arith.constant 1 : i32
    %dma_wait3A_279 = arith.constant 1 : i32
    %dma_wait3A_280 = arith.constant 0 : i32
    %dma_wait3A_281 = arith.constant 0 : i32
    %dma_wait3A_282 = tpu.memref_slice %arg11[%dma_wait3A_278, %dma_wait3A_280, %dma_wait3A_281] : memref<2x400x32xf32, #tpu.memory_space<vmem>> -> memref<1x400x32xf32, #tpu.memory_space<vmem>>
    %dma_wait3A_283 = tpu.memref_squeeze %dma_wait3A_282 : memref<1x400x32xf32, #tpu.memory_space<vmem>> -> memref<400x32xf32, #tpu.memory_space<vmem>>
    %dma_wait3A_284 = arith.constant 0 : i32
    %dma_wait3A_285 = arith.constant 0 : i32
    %dma_wait3A_286 = tpu.memref_slice %arg7[%dma_wait3A_284, %dma_wait3A_285] : memref<320000x32xf32, #tpu.memory_space<hbm>> -> memref<400x32xf32, #tpu.memory_space<hbm>>
    %dma_wait3A_287 = tpu.memref_slice %arg15[%dma_wait3A_279] : memref<2x!tpu.dma_semaphore, #tpu.memory_space<semaphore_mem>> -> memref<1x!tpu.dma_semaphore, #tpu.memory_space<semaphore_mem>>
    %dma_wait3A_288 = tpu.memref_squeeze %dma_wait3A_287 : memref<1x!tpu.dma_semaphore, #tpu.memory_space<semaphore_mem>> -> memref<!tpu.dma_semaphore, #tpu.memory_space<semaphore_mem>>
    %dma_wait3A_289 = arith.constant 0 : i32
    %dma_wait3A_290 = arith.constant 0 : i32
    %dma_wait3A_291 = tpu.memref_slice %arg7[%dma_wait3A_289, %dma_wait3A_290] : memref<320000x32xf32, #tpu.memory_space<hbm>> -> memref<400x32xf32, #tpu.memory_space<hbm>>
    %dma_wait3A_292 = arith.constant 0 : i32
    %dma_wait3A_293 = arith.constant 0 : i32
    %dma_wait3A_294 = tpu.memref_slice %arg11[%dma_wait3A_278, %dma_wait3A_292, %dma_wait3A_293] : memref<2x400x32xf32, #tpu.memory_space<vmem>> -> memref<1x400x32xf32, #tpu.memory_space<vmem>>
    %dma_wait3A_295 = tpu.memref_squeeze %dma_wait3A_294 : memref<1x400x32xf32, #tpu.memory_space<vmem>> -> memref<400x32xf32, #tpu.memory_space<vmem>>
    tpu.wait_dma2 semaphore(%dma_wait3A_288 : memref<!tpu.dma_semaphore, #tpu.memory_space<semaphore_mem>>) src(%dma_wait3A_295 : memref<400x32xf32, #tpu.memory_space<vmem>>) dst(%dma_wait3A_291 : memref<400x32xf32, #tpu.memory_space<hbm>>)
    %dma_wait3A_296 = arith.constant 0 : i32
    %dma_wait3A_297 = arith.constant 0 : i32
    %dma_wait3A_298 = arith.constant 0 : i32
    %dma_wait3A_299 = arith.constant 0 : i32
    %dma_wait3A_300 = tpu.memref_slice %arg10[%dma_wait3A_296, %dma_wait3A_298, %dma_wait3A_299] : memref<2x400x32xf32, #tpu.memory_space<vmem>> -> memref<1x400x32xf32, #tpu.memory_space<vmem>>
    %dma_wait3A_301 = tpu.memref_squeeze %dma_wait3A_300 : memref<1x400x32xf32, #tpu.memory_space<vmem>> -> memref<400x32xf32, #tpu.memory_space<vmem>>
    %dma_wait3A_302 = arith.constant 0 : i32
    %dma_wait3A_303 = arith.constant 0 : i32
    %dma_wait3A_304 = tpu.memref_slice %arg6[%dma_wait3A_302, %dma_wait3A_303] : memref<320000x32xf32, #tpu.memory_space<hbm>> -> memref<400x32xf32, #tpu.memory_space<hbm>>
    %dma_wait3A_305 = tpu.memref_slice %arg14[%dma_wait3A_297] : memref<2x!tpu.dma_semaphore, #tpu.memory_space<semaphore_mem>> -> memref<1x!tpu.dma_semaphore, #tpu.memory_space<semaphore_mem>>
    %dma_wait3A_306 = tpu.memref_squeeze %dma_wait3A_305 : memref<1x!tpu.dma_semaphore, #tpu.memory_space<semaphore_mem>> -> memref<!tpu.dma_semaphore, #tpu.memory_space<semaphore_mem>>
    %dma_wait3A_307 = arith.constant 0 : i32
    %dma_wait3A_308 = arith.constant 0 : i32
    %dma_wait3A_309 = tpu.memref_slice %arg6[%dma_wait3A_307, %dma_wait3A_308] : memref<320000x32xf32, #tpu.memory_space<hbm>> -> memref<400x32xf32, #tpu.memory_space<hbm>>
    %dma_wait3A_310 = arith.constant 0 : i32
    %dma_wait3A_311 = arith.constant 0 : i32
    %dma_wait3A_312 = tpu.memref_slice %arg10[%dma_wait3A_296, %dma_wait3A_310, %dma_wait3A_311] : memref<2x400x32xf32, #tpu.memory_space<vmem>> -> memref<1x400x32xf32, #tpu.memory_space<vmem>>
    %dma_wait3A_313 = tpu.memref_squeeze %dma_wait3A_312 : memref<1x400x32xf32, #tpu.memory_space<vmem>> -> memref<400x32xf32, #tpu.memory_space<vmem>>
    tpu.wait_dma2 semaphore(%dma_wait3A_306 : memref<!tpu.dma_semaphore, #tpu.memory_space<semaphore_mem>>) src(%dma_wait3A_313 : memref<400x32xf32, #tpu.memory_space<vmem>>) dst(%dma_wait3A_309 : memref<400x32xf32, #tpu.memory_space<hbm>>)
    %dma_wait3A_314 = arith.constant 0 : i32
    %dma_wait3A_315 = arith.constant 0 : i32
    %dma_wait3A_316 = arith.constant 0 : i32
    %dma_wait3A_317 = arith.constant 0 : i32
    %dma_wait3A_318 = tpu.memref_slice %arg11[%dma_wait3A_314, %dma_wait3A_316, %dma_wait3A_317] : memref<2x400x32xf32, #tpu.memory_space<vmem>> -> memref<1x400x32xf32, #tpu.memory_space<vmem>>
    %dma_wait3A_319 = tpu.memref_squeeze %dma_wait3A_318 : memref<1x400x32xf32, #tpu.memory_space<vmem>> -> memref<400x32xf32, #tpu.memory_space<vmem>>
    %dma_wait3A_320 = arith.constant 0 : i32
    %dma_wait3A_321 = arith.constant 0 : i32
    %dma_wait3A_322 = tpu.memref_slice %arg7[%dma_wait3A_320, %dma_wait3A_321] : memref<320000x32xf32, #tpu.memory_space<hbm>> -> memref<400x32xf32, #tpu.memory_space<hbm>>
    %dma_wait3A_323 = tpu.memref_slice %arg15[%dma_wait3A_315] : memref<2x!tpu.dma_semaphore, #tpu.memory_space<semaphore_mem>> -> memref<1x!tpu.dma_semaphore, #tpu.memory_space<semaphore_mem>>
    %dma_wait3A_324 = tpu.memref_squeeze %dma_wait3A_323 : memref<1x!tpu.dma_semaphore, #tpu.memory_space<semaphore_mem>> -> memref<!tpu.dma_semaphore, #tpu.memory_space<semaphore_mem>>
    %dma_wait3A_325 = arith.constant 0 : i32
    %dma_wait3A_326 = arith.constant 0 : i32
    %dma_wait3A_327 = tpu.memref_slice %arg7[%dma_wait3A_325, %dma_wait3A_326] : memref<320000x32xf32, #tpu.memory_space<hbm>> -> memref<400x32xf32, #tpu.memory_space<hbm>>
    %dma_wait3A_328 = arith.constant 0 : i32
    %dma_wait3A_329 = arith.constant 0 : i32
    %dma_wait3A_330 = tpu.memref_slice %arg11[%dma_wait3A_314, %dma_wait3A_328, %dma_wait3A_329] : memref<2x400x32xf32, #tpu.memory_space<vmem>> -> memref<1x400x32xf32, #tpu.memory_space<vmem>>
    %dma_wait3A_331 = tpu.memref_squeeze %dma_wait3A_330 : memref<1x400x32xf32, #tpu.memory_space<vmem>> -> memref<400x32xf32, #tpu.memory_space<vmem>>
    tpu.wait_dma2 semaphore(%dma_wait3A_324 : memref<!tpu.dma_semaphore, #tpu.memory_space<semaphore_mem>>) src(%dma_wait3A_331 : memref<400x32xf32, #tpu.memory_space<vmem>>) dst(%dma_wait3A_327 : memref<400x32xf32, #tpu.memory_space<hbm>>)
    return
  }
}

#map = affine_map<(d0, d1) -> (0, 0)>
#map1 = affine_map<(d0, d1) -> (0, 0, 0)>
module attributes {stable_mosaic.version = 14 : i64} {
  func.func @scatter_k(%arg0: i32, %arg1: i32, %arg2: memref<320000x8xf32, #tpu.memory_space<hbm>>, %arg3: memref<4000x80xi32, #tpu.memory_space<hbm>>, %arg4: memref<10000x8xf32, #tpu.memory_space<hbm>>, %arg5: memref<2x10000x8xf32, #tpu.memory_space<hbm>>, %arg6: memref<10000x8xf32, #tpu.memory_space<vmem_shared>>, %arg7: memref<125x80xi32, #tpu.memory_space<vmem>>, %arg8: memref<10000x8xf32, #tpu.memory_space<vmem>>, %arg9: memref<!tpu.dma_semaphore, #tpu.memory_space<semaphore_mem>>) attributes {dimension_semantics = [#tpu.dimension_semantics<core_parallel>, #tpu.dimension_semantics<subcore_parallel>], iteration_bounds = array<i64: 2, 16>, scalar_prefetch = 0 : i64, scratch_operands = 4 : i64, tpu.core_type = #tpu.core_type<sc_vector_subcore>, window_params = [{transform_indices = #map}, {transform_indices = #map}, {transform_indices = #map}, {transform_indices = #map1}]} {
    %mul3A = arith.constant 2 : i32
    %mul3A_0 = arith.muli %arg1, %mul3A : i32
    %add3A = arith.addi %mul3A_0, %arg0 : i32
    %eq3A = arith.constant 0 : i32
    %eq3A_1 = arith.cmpi eq, %arg1, %eq3A : i32
    %convert_element_type3A = arith.extui %eq3A_1 : i1 to i32
    %cond3A = arith.constant 0 : i32
    %cond3A_2 = arith.cmpi ne, %convert_element_type3A, %cond3A : i32
    scf.if %cond3A_2 {
      "tpu.region"() ({
        %run_scoped3A = tpu.sem_alloc : memref<!tpu.dma_semaphore, #tpu.memory_space<semaphore_mem>>
        tpu.enqueue_dma source(%arg4 : memref<10000x8xf32, #tpu.memory_space<hbm>>) target(%arg6 : memref<10000x8xf32, #tpu.memory_space<vmem_shared>>) target_semaphore(%run_scoped3A : memref<!tpu.dma_semaphore, #tpu.memory_space<semaphore_mem>>)
        tpu.wait_dma2 semaphore(%run_scoped3A : memref<!tpu.dma_semaphore, #tpu.memory_space<semaphore_mem>>) src(%arg4 : memref<10000x8xf32, #tpu.memory_space<hbm>>) dst(%arg6 : memref<10000x8xf32, #tpu.memory_space<vmem_shared>>)
        tpu.yield
      }) : () -> ()
    } else {
    }
    %mul3A_3 = arith.constant 125 : i32
    %mul3A_4 = arith.muli %add3A, %mul3A_3 : i32
    "tpu.region"() ({
      %run_scoped3A = tpu.sem_alloc : memref<!tpu.dma_semaphore, #tpu.memory_space<semaphore_mem>>
      %dma_start3A = arith.constant 0 : i32
      %dma_start3A_23 = tpu.memref_slice %arg3[%mul3A_4, %dma_start3A] : memref<4000x80xi32, #tpu.memory_space<hbm>> -> memref<125x80xi32, #tpu.memory_space<hbm>>
      %dma_start3A_24 = arith.constant 0 : i32
      %dma_start3A_25 = tpu.memref_slice %arg3[%mul3A_4, %dma_start3A_24] : memref<4000x80xi32, #tpu.memory_space<hbm>> -> memref<125x80xi32, #tpu.memory_space<hbm>>
      tpu.enqueue_dma source(%dma_start3A_25 : memref<125x80xi32, #tpu.memory_space<hbm>>) target(%arg7 : memref<125x80xi32, #tpu.memory_space<vmem>>) target_semaphore(%run_scoped3A : memref<!tpu.dma_semaphore, #tpu.memory_space<semaphore_mem>>)
      %dma_wait3A_26 = arith.constant 0 : i32
      %dma_wait3A_27 = tpu.memref_slice %arg3[%mul3A_4, %dma_wait3A_26] : memref<4000x80xi32, #tpu.memory_space<hbm>> -> memref<125x80xi32, #tpu.memory_space<hbm>>
      %dma_wait3A_28 = arith.constant 0 : i32
      %dma_wait3A_29 = tpu.memref_slice %arg3[%mul3A_4, %dma_wait3A_28] : memref<4000x80xi32, #tpu.memory_space<hbm>> -> memref<125x80xi32, #tpu.memory_space<hbm>>
      tpu.wait_dma2 semaphore(%run_scoped3A : memref<!tpu.dma_semaphore, #tpu.memory_space<semaphore_mem>>) src(%dma_wait3A_29 : memref<125x80xi32, #tpu.memory_space<hbm>>) dst(%arg7 : memref<125x80xi32, #tpu.memory_space<vmem>>)
      tpu.yield
    }) : () -> ()
    %mul3A_5 = arith.constant 10000 : i32
    %mul3A_6 = arith.muli %add3A, %mul3A_5 : i32
    "tpu.region"() ({
      %run_scoped3A = tpu.sem_alloc : memref<!tpu.dma_semaphore, #tpu.memory_space<semaphore_mem>>
      %dma_start3A = arith.constant 0 : i32
      %dma_start3A_23 = tpu.memref_slice %arg2[%mul3A_6, %dma_start3A] : memref<320000x8xf32, #tpu.memory_space<hbm>> -> memref<10000x8xf32, #tpu.memory_space<hbm>>
      %dma_start3A_24 = arith.constant 0 : i32
      %dma_start3A_25 = tpu.memref_slice %arg2[%mul3A_6, %dma_start3A_24] : memref<320000x8xf32, #tpu.memory_space<hbm>> -> memref<10000x8xf32, #tpu.memory_space<hbm>>
      tpu.enqueue_dma source(%dma_start3A_25 : memref<10000x8xf32, #tpu.memory_space<hbm>>) target(%arg8 : memref<10000x8xf32, #tpu.memory_space<vmem>>) target_semaphore(%run_scoped3A : memref<!tpu.dma_semaphore, #tpu.memory_space<semaphore_mem>>)
      %dma_wait3A_26 = arith.constant 0 : i32
      %dma_wait3A_27 = tpu.memref_slice %arg2[%mul3A_6, %dma_wait3A_26] : memref<320000x8xf32, #tpu.memory_space<hbm>> -> memref<10000x8xf32, #tpu.memory_space<hbm>>
      %dma_wait3A_28 = arith.constant 0 : i32
      %dma_wait3A_29 = tpu.memref_slice %arg2[%mul3A_6, %dma_wait3A_28] : memref<320000x8xf32, #tpu.memory_space<hbm>> -> memref<10000x8xf32, #tpu.memory_space<hbm>>
      tpu.wait_dma2 semaphore(%run_scoped3A : memref<!tpu.dma_semaphore, #tpu.memory_space<semaphore_mem>>) src(%dma_wait3A_29 : memref<10000x8xf32, #tpu.memory_space<hbm>>) dst(%arg8 : memref<10000x8xf32, #tpu.memory_space<vmem>>)
      tpu.yield
    }) : () -> ()
    %barrier3A = arith.constant 0 : index
    tpu.barrier barrier_id(%barrier3A)
    %scan3A = arith.constant 0 : i32
    %scan3A_7 = arith.constant 0 : i32
    %scan3A_8 = arith.constant 125 : i32
    %scan3A_9 = arith.addi %scan3A_7, %scan3A_8 : i32
    %scan3A_10 = arith.constant 1 : i32
    scf.for %scan3A_23 = %scan3A_7 to %scan3A_9 step %scan3A_10  : i32 {
      %mul3A_24 = arith.constant 80 : i32
      %mul3A_25 = arith.muli %scan3A_23, %mul3A_24 : i32
      %dma_start3A = arith.constant 0 : i32
      %dma_start3A_26 = tpu.memref_slice %arg8[%mul3A_25, %dma_start3A] : memref<10000x8xf32, #tpu.memory_space<vmem>> -> memref<80x8xf32, #tpu.memory_space<vmem>>
      %dma_start3A_27 = arith.constant 0 : i32
      %dma_start3A_28 = tpu.memref_slice %arg7[%scan3A_23, %dma_start3A_27] : memref<125x80xi32, #tpu.memory_space<vmem>> -> memref<1x80xi32, #tpu.memory_space<vmem>>
      %dma_start3A_29 = tpu.memref_squeeze %dma_start3A_28 : memref<1x80xi32, #tpu.memory_space<vmem>> -> memref<80xi32, #tpu.memory_space<vmem>>
      %dma_start3A_30 = arith.constant 0 : i32
      %dma_start3A_31 = arith.constant 0 : i32
      %dma_start3A_32 = tpu.memref_slice %arg6[%dma_start3A_30, %dma_start3A_31] : memref<10000x8xf32, #tpu.memory_space<vmem_shared>> -> memref<10000x8xf32, #tpu.memory_space<vmem_shared>>
      tpu.enqueue_indirect_dma source(%dma_start3A_26 : memref<80x8xf32, #tpu.memory_space<vmem>>) target(%dma_start3A_32 : memref<10000x8xf32, #tpu.memory_space<vmem_shared>>) offsets(%dma_start3A_29 : memref<80xi32, #tpu.memory_space<vmem>>) semaphore(%arg9 : memref<!tpu.dma_semaphore, #tpu.memory_space<semaphore_mem>>) {add = true}
    }
    %scan3A_11 = arith.constant 125 : i32
    %dma_wait3A = arith.constant 0 : i32
    %dma_wait3A_12 = arith.constant 0 : i32
    %dma_wait3A_13 = tpu.memref_slice %arg2[%dma_wait3A, %dma_wait3A_12] : memref<320000x8xf32, #tpu.memory_space<hbm>> -> memref<10000x8xf32, #tpu.memory_space<hbm>>
    %dma_wait3A_14 = arith.constant 0 : i32
    %dma_wait3A_15 = arith.constant 0 : i32
    %dma_wait3A_16 = tpu.memref_slice %arg2[%dma_wait3A_14, %dma_wait3A_15] : memref<320000x8xf32, #tpu.memory_space<hbm>> -> memref<10000x8xf32, #tpu.memory_space<hbm>>
    tpu.wait_dma2 semaphore(%arg9 : memref<!tpu.dma_semaphore, #tpu.memory_space<semaphore_mem>>) src(%dma_wait3A_16 : memref<10000x8xf32, #tpu.memory_space<hbm>>) dst(%arg8 : memref<10000x8xf32, #tpu.memory_space<vmem>>)
    %barrier3A_17 = arith.constant 0 : index
    tpu.barrier barrier_id(%barrier3A_17)
    %eq3A_18 = arith.constant 0 : i32
    %eq3A_19 = arith.cmpi eq, %arg1, %eq3A_18 : i32
    %convert_element_type3A_20 = arith.extui %eq3A_19 : i1 to i32
    %cond3A_21 = arith.constant 0 : i32
    %cond3A_22 = arith.cmpi ne, %convert_element_type3A_20, %cond3A_21 : i32
    scf.if %cond3A_22 {
      "tpu.region"() ({
        %run_scoped3A = tpu.sem_alloc : memref<!tpu.dma_semaphore, #tpu.memory_space<semaphore_mem>>
        %dma_start3A = arith.constant 0 : i32
        %dma_start3A_23 = arith.constant 0 : i32
        %dma_start3A_24 = tpu.memref_slice %arg5[%arg0, %dma_start3A, %dma_start3A_23] : memref<2x10000x8xf32, #tpu.memory_space<hbm>> -> memref<1x10000x8xf32, #tpu.memory_space<hbm>>
        %dma_start3A_25 = tpu.memref_squeeze %dma_start3A_24 : memref<1x10000x8xf32, #tpu.memory_space<hbm>> -> memref<10000x8xf32, #tpu.memory_space<hbm>>
        tpu.enqueue_dma source(%arg6 : memref<10000x8xf32, #tpu.memory_space<vmem_shared>>) target(%dma_start3A_25 : memref<10000x8xf32, #tpu.memory_space<hbm>>) target_semaphore(%run_scoped3A : memref<!tpu.dma_semaphore, #tpu.memory_space<semaphore_mem>>)
        %dma_wait3A_26 = arith.constant 0 : i32
        %dma_wait3A_27 = arith.constant 0 : i32
        %dma_wait3A_28 = tpu.memref_slice %arg5[%arg0, %dma_wait3A_26, %dma_wait3A_27] : memref<2x10000x8xf32, #tpu.memory_space<hbm>> -> memref<1x10000x8xf32, #tpu.memory_space<hbm>>
        %dma_wait3A_29 = tpu.memref_squeeze %dma_wait3A_28 : memref<1x10000x8xf32, #tpu.memory_space<hbm>> -> memref<10000x8xf32, #tpu.memory_space<hbm>>
        tpu.wait_dma2 semaphore(%run_scoped3A : memref<!tpu.dma_semaphore, #tpu.memory_space<semaphore_mem>>) src(%arg6 : memref<10000x8xf32, #tpu.memory_space<vmem_shared>>) dst(%dma_wait3A_29 : memref<10000x8xf32, #tpu.memory_space<hbm>>)
        tpu.yield
      }) : () -> ()
    } else {
    }
    return
  }
}

module attributes {stable_mosaic.version = 14 : i64} {
  func.func @body(%arg0: i32, %arg1: memref<2000x128xf32, #tpu.memory_space<vmem>>, %arg2: memref<128x32xf32, #tpu.memory_space<vmem>>, %arg3: memref<128x32xf32, #tpu.memory_space<vmem>>, %arg4: memref<2000x32xf32, #tpu.memory_space<vmem>>, %arg5: memref<2000x32xf32, #tpu.memory_space<vmem>>) attributes {dimension_semantics = [#tpu.dimension_semantics<arbitrary>], iteration_bounds = array<i64: 5>, scalar_prefetch = 0 : i64, scratch_operands = 0 : i64, tpu.core_type = #tpu.core_type<tc>, window_params = [{transform_indices = @transform_0, window_bounds = array<i64: 2000, 128>}, {pipeline_mode = #tpu.pipeline_mode<synchronous>, transform_indices = @transform_1, window_bounds = array<i64: 128, 32>}, {pipeline_mode = #tpu.pipeline_mode<synchronous>, transform_indices = @transform_2, window_bounds = array<i64: 128, 32>}, {transform_indices = @transform_3, window_bounds = array<i64: 2000, 32>}, {transform_indices = @transform_4, window_bounds = array<i64: 2000, 32>}]} {
    %get3A = arith.constant 0 : index
    %get3A_0 = arith.constant 0 : index
    %get3A_1 = vector.load %arg1[%get3A, %get3A_0] : memref<2000x128xf32, #tpu.memory_space<vmem>>, vector<2000x128xf32>
    %get3A_2 = arith.constant 0 : index
    %get3A_3 = arith.constant 0 : index
    %get3A_4 = vector.load %arg2[%get3A_2, %get3A_3] : memref<128x32xf32, #tpu.memory_space<vmem>>, vector<128x32xf32>
    %dot_general3A = arith.constant dense<0.000000e+00> : vector<2000x32xf32>
    %dot_general3A_5 = tpu.matmul %get3A_1, %get3A_4, %dot_general3A {dimension_numbers = #tpu.dot_dimension_numbers<[1], [0], [0], [1], [0, 0, 1, 1], [], []>, transpose_lhs_hint = false} : vector<2000x128xf32>, vector<128x32xf32>, vector<2000x32xf32> -> vector<2000x32xf32>
    %swap3A = arith.constant 0 : index
    %swap3A_6 = arith.constant 0 : index
    %swap3A_7 = vector.load %arg4[%swap3A, %swap3A_6] : memref<2000x32xf32, #tpu.memory_space<vmem>>, vector<2000x32xf32>
    tpu.vector_store %arg4[%swap3A, %swap3A_6], %dot_general3A_5 {strides = array<i32>} : memref<2000x32xf32, #tpu.memory_space<vmem>>, vector<2000x32xf32>,
    %get3A_8 = arith.constant 0 : index
    %get3A_9 = arith.constant 0 : index
    %get3A_10 = vector.load %arg3[%get3A_8, %get3A_9] : memref<128x32xf32, #tpu.memory_space<vmem>>, vector<128x32xf32>
    %dot_general3A_11 = arith.constant dense<0.000000e+00> : vector<2000x32xf32>
    %dot_general3A_12 = tpu.matmul %get3A_1, %get3A_10, %dot_general3A_11 {dimension_numbers = #tpu.dot_dimension_numbers<[1], [0], [0], [1], [0, 0, 1, 1], [], []>, transpose_lhs_hint = false} : vector<2000x128xf32>, vector<128x32xf32>, vector<2000x32xf32> -> vector<2000x32xf32>
    %swap3A_13 = arith.constant 0 : index
    %swap3A_14 = arith.constant 0 : index
    %swap3A_15 = vector.load %arg5[%swap3A_13, %swap3A_14] : memref<2000x32xf32, #tpu.memory_space<vmem>>, vector<2000x32xf32>
    tpu.vector_store %arg5[%swap3A_13, %swap3A_14], %dot_general3A_12 {strides = array<i32>} : memref<2000x32xf32, #tpu.memory_space<vmem>>, vector<2000x32xf32>,
    return
  }
  func.func @transform_0(%arg0: i32) -> (i32, i32) {
    %c0_i32 = arith.constant 0 : i32
    %c0_i32_0 = arith.constant 0 : i32
    return %arg0, %c0_i32 : i32, i32
  }
  func.func @transform_1(%arg0: i32) -> (i32, i32) {
    %c0_i32 = arith.constant 0 : i32
    %c0_i32_0 = arith.constant 0 : i32
    %c0_i32_1 = arith.constant 0 : i32
    return %c0_i32, %c0_i32_0 : i32, i32
  }
  func.func @transform_2(%arg0: i32) -> (i32, i32) {
    %c0_i32 = arith.constant 0 : i32
    %c0_i32_0 = arith.constant 0 : i32
    %c0_i32_1 = arith.constant 0 : i32
    return %c0_i32, %c0_i32_0 : i32, i32
  }
  func.func @transform_3(%arg0: i32) -> (i32, i32) {
    %c0_i32 = arith.constant 0 : i32
    %c0_i32_0 = arith.constant 0 : i32
    return %arg0, %c0_i32 : i32, i32
  }
  func.func @transform_4(%arg0: i32) -> (i32, i32) {
    %c0_i32 = arith.constant 0 : i32
    %c0_i32_0 = arith.constant 0 : i32
    return %arg0, %c0_i32 : i32, i32
  }
}

module attributes {stable_mosaic.version = 14 : i64} {
  func.func @body(%arg0: i32, %arg1: memref<4000x128xf32, #tpu.memory_space<vmem>>, %arg2: memref<4000x128xf32, #tpu.memory_space<vmem>>, %arg3: memref<4000x32xf32, #tpu.memory_space<vmem>>, %arg4: memref<32x128xf32, #tpu.memory_space<vmem>>, %arg5: memref<1x128xf32, #tpu.memory_space<vmem>>, %arg6: memref<128x32xf32, #tpu.memory_space<vmem>>, %arg7: memref<1x32xf32, #tpu.memory_space<vmem>>, %arg8: memref<4000x32xf32, #tpu.memory_space<vmem>>) attributes {dimension_semantics = [#tpu.dimension_semantics<arbitrary>], iteration_bounds = array<i64: 20>, scalar_prefetch = 0 : i64, scratch_operands = 0 : i64, tpu.core_type = #tpu.core_type<tc>, window_params = [{transform_indices = @transform_0, window_bounds = array<i64: 4000, 128>}, {transform_indices = @transform_1, window_bounds = array<i64: 4000, 128>}, {transform_indices = @transform_2, window_bounds = array<i64: 4000, 32>}, {pipeline_mode = #tpu.pipeline_mode<synchronous>, transform_indices = @transform_3, window_bounds = array<i64: 32, 128>}, {pipeline_mode = #tpu.pipeline_mode<synchronous>, transform_indices = @transform_4, window_bounds = array<i64: 1, 128>}, {pipeline_mode = #tpu.pipeline_mode<synchronous>, transform_indices = @transform_5, window_bounds = array<i64: 128, 32>}, {pipeline_mode = #tpu.pipeline_mode<synchronous>, transform_indices = @transform_6, window_bounds = array<i64: 1, 32>}, {transform_indices = @transform_7, window_bounds = array<i64: 4000, 32>}]} {
    %get3A = arith.constant 0 : index
    %get3A_0 = arith.constant 0 : index
    %get3A_1 = vector.load %arg3[%get3A, %get3A_0] : memref<4000x32xf32, #tpu.memory_space<vmem>>, vector<4000x32xf32>
    %get3A_2 = arith.constant 0 : index
    %get3A_3 = arith.constant 0 : index
    %get3A_4 = vector.load %arg1[%get3A_2, %get3A_3] : memref<4000x128xf32, #tpu.memory_space<vmem>>, vector<4000x128xf32>
    %get3A_5 = arith.constant 0 : index
    %get3A_6 = arith.constant 0 : index
    %get3A_7 = vector.load %arg2[%get3A_5, %get3A_6] : memref<4000x128xf32, #tpu.memory_space<vmem>>, vector<4000x128xf32>
    %add3A = arith.addf %get3A_4, %get3A_7 : vector<4000x128xf32>
    %get3A_8 = arith.constant 0 : index
    %get3A_9 = arith.constant 0 : index
    %get3A_10 = vector.load %arg5[%get3A_8, %get3A_9] : memref<1x128xf32, #tpu.memory_space<vmem>>, vector<1x128xf32>
    %add3A_11 = vector.broadcast %get3A_10 : vector<1x128xf32> to vector<4000x128xf32>
    %add3A_12 = arith.addf %add3A, %add3A_11 : vector<4000x128xf32>
    %get3A_13 = arith.constant 0 : index
    %get3A_14 = arith.constant 0 : index
    %get3A_15 = vector.load %arg4[%get3A_13, %get3A_14] : memref<32x128xf32, #tpu.memory_space<vmem>>, vector<32x128xf32>
    %dot_general3A = arith.constant dense<0.000000e+00> : vector<4000x128xf32>
    %dot_general3A_16 = tpu.matmul %get3A_1, %get3A_15, %dot_general3A {dimension_numbers = #tpu.dot_dimension_numbers<[1], [0], [0], [1], [0, 0, 1, 1], [], []>, transpose_lhs_hint = false} : vector<4000x32xf32>, vector<32x128xf32>, vector<4000x128xf32> -> vector<4000x128xf32>
    %add3A_17 = arith.addf %add3A_12, %dot_general3A_16 : vector<4000x128xf32>
    %max3A = arith.constant 0.000000e+00 : f32
    %max3A_18 = vector.broadcast %max3A : f32 to vector<4000x128xf32>
    %max3A_19 = arith.maximumf %add3A_17, %max3A_18 : vector<4000x128xf32>
    %get3A_20 = arith.constant 0 : index
    %get3A_21 = arith.constant 0 : index
    %get3A_22 = vector.load %arg6[%get3A_20, %get3A_21] : memref<128x32xf32, #tpu.memory_space<vmem>>, vector<128x32xf32>
    %dot_general3A_23 = arith.constant dense<0.000000e+00> : vector<4000x32xf32>
    %dot_general3A_24 = tpu.matmul %max3A_19, %get3A_22, %dot_general3A_23 {dimension_numbers = #tpu.dot_dimension_numbers<[1], [0], [0], [1], [0, 0, 1, 1], [], []>, transpose_lhs_hint = false} : vector<4000x128xf32>, vector<128x32xf32>, vector<4000x32xf32> -> vector<4000x32xf32>
    %get3A_25 = arith.constant 0 : index
    %get3A_26 = arith.constant 0 : index
    %get3A_27 = vector.load %arg7[%get3A_25, %get3A_26] : memref<1x32xf32, #tpu.memory_space<vmem>>, vector<1x32xf32>
    %add3A_28 = vector.broadcast %get3A_27 : vector<1x32xf32> to vector<4000x32xf32>
    %add3A_29 = arith.addf %dot_general3A_24, %add3A_28 : vector<4000x32xf32>
    %add3A_30 = arith.addf %add3A_29, %get3A_1 : vector<4000x32xf32>
    %swap3A = arith.constant 0 : index
    %swap3A_31 = arith.constant 0 : index
    %swap3A_32 = vector.load %arg8[%swap3A, %swap3A_31] : memref<4000x32xf32, #tpu.memory_space<vmem>>, vector<4000x32xf32>
    tpu.vector_store %arg8[%swap3A, %swap3A_31], %add3A_30 {strides = array<i32>} : memref<4000x32xf32, #tpu.memory_space<vmem>>, vector<4000x32xf32>,
    return
  }
  func.func @transform_0(%arg0: i32) -> (i32, i32) {
    %c0_i32 = arith.constant 0 : i32
    %c0_i32_0 = arith.constant 0 : i32
    return %arg0, %c0_i32 : i32, i32
  }
  func.func @transform_1(%arg0: i32) -> (i32, i32) {
    %c0_i32 = arith.constant 0 : i32
    %c0_i32_0 = arith.constant 0 : i32
    return %arg0, %c0_i32 : i32, i32
  }
  func.func @transform_2(%arg0: i32) -> (i32, i32) {
    %c0_i32 = arith.constant 0 : i32
    %c0_i32_0 = arith.constant 0 : i32
    return %arg0, %c0_i32 : i32, i32
  }
  func.func @transform_3(%arg0: i32) -> (i32, i32) {
    %c0_i32 = arith.constant 0 : i32
    %c0_i32_0 = arith.constant 0 : i32
    %c0_i32_1 = arith.constant 0 : i32
    return %c0_i32, %c0_i32_0 : i32, i32
  }
  func.func @transform_4(%arg0: i32) -> (i32, i32) {
    %c0_i32 = arith.constant 0 : i32
    %c0_i32_0 = arith.constant 0 : i32
    %c0_i32_1 = arith.constant 0 : i32
    return %c0_i32, %c0_i32_0 : i32, i32
  }
  func.func @transform_5(%arg0: i32) -> (i32, i32) {
    %c0_i32 = arith.constant 0 : i32
    %c0_i32_0 = arith.constant 0 : i32
    %c0_i32_1 = arith.constant 0 : i32
    return %c0_i32, %c0_i32_0 : i32, i32
  }
  func.func @transform_6(%arg0: i32) -> (i32, i32) {
    %c0_i32 = arith.constant 0 : i32
    %c0_i32_0 = arith.constant 0 : i32
    %c0_i32_1 = arith.constant 0 : i32
    return %c0_i32, %c0_i32_0 : i32, i32
  }
  func.func @transform_7(%arg0: i32) -> (i32, i32) {
    %c0_i32 = arith.constant 0 : i32
    %c0_i32_0 = arith.constant 0 : i32
    return %arg0, %c0_i32 : i32, i32
  }
}

module attributes {stable_mosaic.version = 14 : i64} {
  func.func @body(%arg0: i32, %arg1: memref<2000x128xf32, #tpu.memory_space<vmem>>, %arg2: memref<2000x8xf32, #tpu.memory_space<vmem>>, %arg3: memref<2000x8xf32, #tpu.memory_space<vmem>>, %arg4: memref<128x32xf32, #tpu.memory_space<vmem>>, %arg5: memref<8x32xf32, #tpu.memory_space<vmem>>, %arg6: memref<1x32xf32, #tpu.memory_space<vmem>>, %arg7: memref<32x128xf32, #tpu.memory_space<vmem>>, %arg8: memref<1x128xf32, #tpu.memory_space<vmem>>, %arg9: memref<128x32xf32, #tpu.memory_space<vmem>>, %arg10: memref<128x32xf32, #tpu.memory_space<vmem>>, %arg11: memref<2000x128xf32, #tpu.memory_space<vmem>>, %arg12: memref<2000x32xf32, #tpu.memory_space<vmem>>, %arg13: memref<2000x32xf32, #tpu.memory_space<vmem>>) attributes {dimension_semantics = [#tpu.dimension_semantics<arbitrary>], iteration_bounds = array<i64: 5>, scalar_prefetch = 0 : i64, scratch_operands = 0 : i64, tpu.core_type = #tpu.core_type<tc>, window_params = [{transform_indices = @transform_0, window_bounds = array<i64: 2000, 128>}, {transform_indices = @transform_1, window_bounds = array<i64: 2000, 8>}, {transform_indices = @transform_2, window_bounds = array<i64: 2000, 8>}, {pipeline_mode = #tpu.pipeline_mode<synchronous>, transform_indices = @transform_3, window_bounds = array<i64: 128, 32>}, {pipeline_mode = #tpu.pipeline_mode<synchronous>, transform_indices = @transform_4, window_bounds = array<i64: 8, 32>}, {pipeline_mode = #tpu.pipeline_mode<synchronous>, transform_indices = @transform_5, window_bounds = array<i64: 1, 32>}, {pipeline_mode = #tpu.pipeline_mode<synchronous>, transform_indices = @transform_6, window_bounds = array<i64: 32, 128>}, {pipeline_mode = #tpu.pipeline_mode<synchronous>, transform_indices = @transform_7, window_bounds = array<i64: 1, 128>}, {pipeline_mode = #tpu.pipeline_mode<synchronous>, transform_indices = @transform_8, window_bounds = array<i64: 128, 32>}, {pipeline_mode = #tpu.pipeline_mode<synchronous>, transform_indices = @transform_9, window_bounds = array<i64: 128, 32>}, {transform_indices = @transform_10, window_bounds = array<i64: 2000, 128>}, {transform_indices = @transform_11, window_bounds = array<i64: 2000, 32>}, {transform_indices = @transform_12, window_bounds = array<i64: 2000, 32>}]} {
    %get3A = arith.constant 0 : index
    %get3A_0 = arith.constant 0 : index
    %get3A_1 = vector.load %arg1[%get3A, %get3A_0] : memref<2000x128xf32, #tpu.memory_space<vmem>>, vector<2000x128xf32>
    %get3A_2 = arith.constant 0 : index
    %get3A_3 = arith.constant 0 : index
    %get3A_4 = vector.load %arg2[%get3A_2, %get3A_3] : memref<2000x8xf32, #tpu.memory_space<vmem>>, vector<2000x8xf32>
    %get3A_5 = arith.constant 0 : index
    %get3A_6 = arith.constant 0 : index
    %get3A_7 = vector.load %arg3[%get3A_5, %get3A_6] : memref<2000x8xf32, #tpu.memory_space<vmem>>, vector<2000x8xf32>
    %add3A = arith.addf %get3A_4, %get3A_7 : vector<2000x8xf32>
    %get3A_8 = arith.constant 0 : index
    %get3A_9 = arith.constant 0 : index
    %get3A_10 = vector.load %arg4[%get3A_8, %get3A_9] : memref<128x32xf32, #tpu.memory_space<vmem>>, vector<128x32xf32>
    %dot_general3A = arith.constant dense<0.000000e+00> : vector<2000x32xf32>
    %dot_general3A_11 = tpu.matmul %get3A_1, %get3A_10, %dot_general3A {dimension_numbers = #tpu.dot_dimension_numbers<[1], [0], [0], [1], [0, 0, 1, 1], [], []>, transpose_lhs_hint = false} : vector<2000x128xf32>, vector<128x32xf32>, vector<2000x32xf32> -> vector<2000x32xf32>
    %get3A_12 = arith.constant 0 : index
    %get3A_13 = arith.constant 0 : index
    %get3A_14 = vector.load %arg5[%get3A_12, %get3A_13] : memref<8x32xf32, #tpu.memory_space<vmem>>, vector<8x32xf32>
    %dot_general3A_15 = arith.constant dense<0.000000e+00> : vector<2000x32xf32>
    %dot_general3A_16 = tpu.matmul %add3A, %get3A_14, %dot_general3A_15 {dimension_numbers = #tpu.dot_dimension_numbers<[1], [0], [0], [1], [0, 0, 1, 1], [], []>, transpose_lhs_hint = false} : vector<2000x8xf32>, vector<8x32xf32>, vector<2000x32xf32> -> vector<2000x32xf32>
    %add3A_17 = arith.addf %dot_general3A_11, %dot_general3A_16 : vector<2000x32xf32>
    %get3A_18 = arith.constant 0 : index
    %get3A_19 = arith.constant 0 : index
    %get3A_20 = vector.load %arg6[%get3A_18, %get3A_19] : memref<1x32xf32, #tpu.memory_space<vmem>>, vector<1x32xf32>
    %add3A_21 = vector.broadcast %get3A_20 : vector<1x32xf32> to vector<2000x32xf32>
    %add3A_22 = arith.addf %add3A_17, %add3A_21 : vector<2000x32xf32>
    %max3A = arith.constant 0.000000e+00 : f32
    %max3A_23 = vector.broadcast %max3A : f32 to vector<2000x32xf32>
    %max3A_24 = arith.maximumf %add3A_22, %max3A_23 : vector<2000x32xf32>
    %get3A_25 = arith.constant 0 : index
    %get3A_26 = arith.constant 0 : index
    %get3A_27 = vector.load %arg7[%get3A_25, %get3A_26] : memref<32x128xf32, #tpu.memory_space<vmem>>, vector<32x128xf32>
    %dot_general3A_28 = arith.constant dense<0.000000e+00> : vector<2000x128xf32>
    %dot_general3A_29 = tpu.matmul %max3A_24, %get3A_27, %dot_general3A_28 {dimension_numbers = #tpu.dot_dimension_numbers<[1], [0], [0], [1], [0, 0, 1, 1], [], []>, transpose_lhs_hint = false} : vector<2000x32xf32>, vector<32x128xf32>, vector<2000x128xf32> -> vector<2000x128xf32>
    %get3A_30 = arith.constant 0 : index
    %get3A_31 = arith.constant 0 : index
    %get3A_32 = vector.load %arg8[%get3A_30, %get3A_31] : memref<1x128xf32, #tpu.memory_space<vmem>>, vector<1x128xf32>
    %add3A_33 = vector.broadcast %get3A_32 : vector<1x128xf32> to vector<2000x128xf32>
    %add3A_34 = arith.addf %dot_general3A_29, %add3A_33 : vector<2000x128xf32>
    %add3A_35 = arith.addf %add3A_34, %get3A_1 : vector<2000x128xf32>
    %swap3A = arith.constant 0 : index
    %swap3A_36 = arith.constant 0 : index
    %swap3A_37 = vector.load %arg11[%swap3A, %swap3A_36] : memref<2000x128xf32, #tpu.memory_space<vmem>>, vector<2000x128xf32>
    tpu.vector_store %arg11[%swap3A, %swap3A_36], %add3A_35 {strides = array<i32>} : memref<2000x128xf32, #tpu.memory_space<vmem>>, vector<2000x128xf32>,
    %get3A_38 = arith.constant 0 : index
    %get3A_39 = arith.constant 0 : index
    %get3A_40 = vector.load %arg9[%get3A_38, %get3A_39] : memref<128x32xf32, #tpu.memory_space<vmem>>, vector<128x32xf32>
    %dot_general3A_41 = arith.constant dense<0.000000e+00> : vector<2000x32xf32>
    %dot_general3A_42 = tpu.matmul %add3A_35, %get3A_40, %dot_general3A_41 {dimension_numbers = #tpu.dot_dimension_numbers<[1], [0], [0], [1], [0, 0, 1, 1], [], []>, transpose_lhs_hint = false} : vector<2000x128xf32>, vector<128x32xf32>, vector<2000x32xf32> -> vector<2000x32xf32>
    %swap3A_43 = arith.constant 0 : index
    %swap3A_44 = arith.constant 0 : index
    %swap3A_45 = vector.load %arg12[%swap3A_43, %swap3A_44] : memref<2000x32xf32, #tpu.memory_space<vmem>>, vector<2000x32xf32>
    tpu.vector_store %arg12[%swap3A_43, %swap3A_44], %dot_general3A_42 {strides = array<i32>} : memref<2000x32xf32, #tpu.memory_space<vmem>>, vector<2000x32xf32>,
    %get3A_46 = arith.constant 0 : index
    %get3A_47 = arith.constant 0 : index
    %get3A_48 = vector.load %arg10[%get3A_46, %get3A_47] : memref<128x32xf32, #tpu.memory_space<vmem>>, vector<128x32xf32>
    %dot_general3A_49 = arith.constant dense<0.000000e+00> : vector<2000x32xf32>
    %dot_general3A_50 = tpu.matmul %add3A_35, %get3A_48, %dot_general3A_49 {dimension_numbers = #tpu.dot_dimension_numbers<[1], [0], [0], [1], [0, 0, 1, 1], [], []>, transpose_lhs_hint = false} : vector<2000x128xf32>, vector<128x32xf32>, vector<2000x32xf32> -> vector<2000x32xf32>
    %swap3A_51 = arith.constant 0 : index
    %swap3A_52 = arith.constant 0 : index
    %swap3A_53 = vector.load %arg13[%swap3A_51, %swap3A_52] : memref<2000x32xf32, #tpu.memory_space<vmem>>, vector<2000x32xf32>
    tpu.vector_store %arg13[%swap3A_51, %swap3A_52], %dot_general3A_50 {strides = array<i32>} : memref<2000x32xf32, #tpu.memory_space<vmem>>, vector<2000x32xf32>,
    return
  }
  func.func @transform_0(%arg0: i32) -> (i32, i32) {
    %c0_i32 = arith.constant 0 : i32
    %c0_i32_0 = arith.constant 0 : i32
    return %arg0, %c0_i32 : i32, i32
  }
  func.func @transform_1(%arg0: i32) -> (i32, i32) {
    %c0_i32 = arith.constant 0 : i32
    %c0_i32_0 = arith.constant 0 : i32
    return %arg0, %c0_i32 : i32, i32
  }
  func.func @transform_2(%arg0: i32) -> (i32, i32) {
    %c0_i32 = arith.constant 0 : i32
    %c0_i32_0 = arith.constant 0 : i32
    return %arg0, %c0_i32 : i32, i32
  }
  func.func @transform_3(%arg0: i32) -> (i32, i32) {
    %c0_i32 = arith.constant 0 : i32
    %c0_i32_0 = arith.constant 0 : i32
    %c0_i32_1 = arith.constant 0 : i32
    return %c0_i32, %c0_i32_0 : i32, i32
  }
  func.func @transform_4(%arg0: i32) -> (i32, i32) {
    %c0_i32 = arith.constant 0 : i32
    %c0_i32_0 = arith.constant 0 : i32
    %c0_i32_1 = arith.constant 0 : i32
    return %c0_i32, %c0_i32_0 : i32, i32
  }
  func.func @transform_5(%arg0: i32) -> (i32, i32) {
    %c0_i32 = arith.constant 0 : i32
    %c0_i32_0 = arith.constant 0 : i32
    %c0_i32_1 = arith.constant 0 : i32
    return %c0_i32, %c0_i32_0 : i32, i32
  }
  func.func @transform_6(%arg0: i32) -> (i32, i32) {
    %c0_i32 = arith.constant 0 : i32
    %c0_i32_0 = arith.constant 0 : i32
    %c0_i32_1 = arith.constant 0 : i32
    return %c0_i32, %c0_i32_0 : i32, i32
  }
  func.func @transform_7(%arg0: i32) -> (i32, i32) {
    %c0_i32 = arith.constant 0 : i32
    %c0_i32_0 = arith.constant 0 : i32
    %c0_i32_1 = arith.constant 0 : i32
    return %c0_i32, %c0_i32_0 : i32, i32
  }
  func.func @transform_8(%arg0: i32) -> (i32, i32) {
    %c0_i32 = arith.constant 0 : i32
    %c0_i32_0 = arith.constant 0 : i32
    %c0_i32_1 = arith.constant 0 : i32
    return %c0_i32, %c0_i32_0 : i32, i32
  }
  func.func @transform_9(%arg0: i32) -> (i32, i32) {
    %c0_i32 = arith.constant 0 : i32
    %c0_i32_0 = arith.constant 0 : i32
    %c0_i32_1 = arith.constant 0 : i32
    return %c0_i32, %c0_i32_0 : i32, i32
  }
  func.func @transform_10(%arg0: i32) -> (i32, i32) {
    %c0_i32 = arith.constant 0 : i32
    %c0_i32_0 = arith.constant 0 : i32
    return %arg0, %c0_i32 : i32, i32
  }
  func.func @transform_11(%arg0: i32) -> (i32, i32) {
    %c0_i32 = arith.constant 0 : i32
    %c0_i32_0 = arith.constant 0 : i32
    return %arg0, %c0_i32 : i32, i32
  }
  func.func @transform_12(%arg0: i32) -> (i32, i32) {
    %c0_i32 = arith.constant 0 : i32
    %c0_i32_0 = arith.constant 0 : i32
    return %arg0, %c0_i32 : i32, i32
  }
}

</mosaic_0001>

<sc_bundles>
// kernel: closed_call.33.cloned.1.call-start
scs
__scs_entry_jumppad:
0x0: {  	(pc) =	sbr.rel $0x88, $3  }
0x1: {  	(tag) =	ssettag $0x0;
	lr =	simm.s32 $0x1  }
0x2: {  	[smem:$0x3F96] =	sst lr;
	_ =	strace $0xD0000000  }
0x3: {  	_ = 	snop  }
0x4: {  	_ = 	snop  }
0x5: {  	_ = 	snop  }
0x6: {  	_ = 	snop  }
0x7: {  	_ = 	snop  }
__scs_overlays_trampoline_lowered:
0x8: {  	[smem:$0x3FA5] =	sst s0  }
0x9: {  	[smem:$0x3FA6] =	sst s1  }
0xa: {  	[smem:$0x3FA7] =	sst s2  }
0xb: {  	[smem:$0x3FA8] =	sst s3  }
0xc: {  	[smem:$0x3FA9] =	sst s4  }
0xd: {  	[smem:$0x3FAA] =	sst s5  }
0xe: {  	[smem:$0x3FAB] =	sst s6  }
0xf: {  	[smem:$0x3FAC] =	sst s7  }
0x10: {  	[smem:$0x3FAD] =	sst s8  }
0x11: {  	[smem:$0x3FAE] =	sst s9;
	s0 =	simm.s32 @!p0 $0x0  }
0x12: {  	s1 =	sld [smem:$0x3F94];
	s0 =	simm.s32 @p0 $0x1  }
0x13: {  	[smem:$0x3FAF] =	sst s0;
	s0 =	simm.s32 @!p1 $0x0  }
0x14: {  	s2 =	sld [smem:$0x3F93];
	s0 =	simm.s32 @p1 $0x1  }
0x15: {  	[smem:$0x3FB0] =	sst s0;
	s0 =	simm.s32 @!p2 $0x0  }
0x16: {  	s3 =	sld [smem:$0x3FDB];
	s0 =	simm.s32 @p2 $0x1  }
0x17: {  	s4 =	simm.s32 $0x1BF5;
	[smem:$0x3FB2] =	sst s0  }
0x18: {  	s0 =	sld [smem:$0x3F95];
	_ =	swait.ge [sflag:s4], $0x0  }
0x19: {  	s7 =	sld [smem:$0x3F96]  }
0x1a: {  	s8 =	sadd.s32 $0xFFFFE003, lr  }
0x1b: {  	s9 =	sadd.s32 $0xFFFFFEF7, lr;
	s5 =	simm.s32 $0xFFFFFFFF;
	p2 =	slt.u32 s8, $0xFFFFF086  }
0x1c: {  	p1 =	slt.u32 s9, $0xF7A;
	s5 =	simm.s32 @!p2 $0x0  }
0x1d: {  	s5 =	simm.s32 @p1 $0x1;
	p0 =	seq.s32 s7, s2  }
0x1e: {  	s7 =	smul.u32 @!p0 $0xF7A, s2;
	p2 =	seq.s32 @!p0 s5, $0x0  }
0x1f: {  	s9 =	smul.u32 $0xF7A, s1;
	s8 =	simm.s32 @!p0 $0x1BF5;
	p2 =	por !p2, p0  }
0x20: {  	[sflag:s8] =	ssyncset.s32 @!p0 $0xFFFFF086;
	s6 =	sadd.s32 @!p0 s3, s7;
	s7 =	simm.s32 @!p0 $0x108  }
0x21: {  	s3 =	sadd.s32 s3, s9;
	s6 =	sadd.s32 @!p0 $0x88, s6;
	s7 =	simm.s32 @p2 $0x1082  }
0x22: {  	[simem:s7], [sflag:s8] =	dma.local @!p0 [hbm:s6], $0xF7A  }
0x23: {  	s9 =	sor.u32 $0xD0000000, s2;
	s6 =	simm.s32 $0x108;
	_ =	swait.ge @!p0 [sflag:s8], $0x0  }
0x24: {  	s3 =	sadd.s32 $0x88, s3;
	s6 =	simm.s32 @!p1 $0x1082;
	[sflag:s4] =	ssyncset.s32 $0xFFFFF086  }
0x25: {  	[simem:s6], [sflag:s4] =	dma.local [hbm:s3], $0xF7A  }
0x26: {  	[smem:$0x3F96] =	sst s1;
	(tag) =	ssettag s2;
	_ =	strace s9  }
0x27: {  	s1 =	sld [smem:$0x3FA6]  }
0x28: {  	s2 =	sld [smem:$0x3FA7]  }
0x29: {  	s4 =	sld [smem:$0x3FA9]  }
0x2a: {  	p0 =	seq.s32 s5, $0x0;
	s5 =	sld [smem:$0x3FAA]  }
0x2b: {  	s6 =	sld [smem:$0x3FAB]  }
0x2c: {  	s7 =	sld [smem:$0x3FAC]  }
0x2d: {  	s3 =	simm.s32 $0x108;
	s8 =	sld [smem:$0x3FAD]  }
0x2e: {  	s3 =	simm.s32 @!p0 $0x1082;
	s9 =	sld [smem:$0x3FAE]  }
0x2f: {  	lr =	sadd.s32 s0, s3;
	s0 =	sld [smem:$0x3FA5]  }
0x30: {  	s3 =	sld [smem:$0x3FA8]  }
0x31: {  	[smem:$0x3FB1] =	sst s10  }
0x32: {  	s10 =	sld [smem:$0x3FAF];
	_ =	sdelay $0x3  }
0x33: {  	p0 =	seq.s32 s10, $0x1;
	s10 =	sld [smem:$0x3FB1];
	_ =	sdelay $0x3  }
0x34: {  	[smem:$0x3FB1] =	sst s10  }
0x35: {  	s10 =	sld [smem:$0x3FB0];
	_ =	sdelay $0x3  }
0x36: {  	p1 =	seq.s32 s10, $0x1;
	s10 =	sld [smem:$0x3FB1];
	_ =	sdelay $0x3  }
0x37: {  	[smem:$0x3FB1] =	sst s10  }
0x38: {  	s10 =	sld [smem:$0x3FB2]  }
0x39: {  	_ = 	snop;
	(pc) =	sbr.ind lr, $3  }
0x3a: {  	_ = 	snop  }
0x3b: {  	_ = 	snop  }
0x3c: {  	p2 =	seq.s32 s10, $0x1;
	s10 =	sld [smem:$0x3FB1]  }
0x3d: {  	_ =	shalt  }
0x3e: {  	_ =	shalt  }
0x3f: {  	_ =	shalt  }
0x40: {  	_ =	shalt  }
0x41: {  	_ =	shalt  }
0x42: {  	_ =	shalt  }
0x43: {  	_ =	shalt  }
0x44: {  	_ =	shalt  }
0x45: {  	_ =	shalt  }
0x46: {  	_ =	shalt  }
0x47: {  	_ =	shalt  }
0x48: {  	_ =	shalt  }
0x49: {  	_ =	shalt  }
0x4a: {  	_ =	shalt  }
0x4b: {  	_ =	shalt  }
0x4c: {  	_ =	shalt  }
0x4d: {  	_ =	shalt  }
0x4e: {  	_ =	shalt  }
0x4f: {  	_ =	shalt  }
0x50: {  	_ =	shalt  }
0x51: {  	_ =	shalt  }
0x52: {  	_ =	shalt  }
0x53: {  	_ =	shalt  }
0x54: {  	_ =	shalt  }
0x55: {  	_ =	shalt  }
0x56: {  	_ =	shalt  }
0x57: {  	_ =	shalt  }
0x58: {  	_ =	shalt  }
0x59: {  	_ =	shalt  }
0x5a: {  	_ =	shalt  }
0x5b: {  	_ =	shalt  }
0x5c: {  	_ =	shalt  }
0x5d: {  	_ =	shalt  }
0x5e: {  	_ =	shalt  }
0x5f: {  	_ =	shalt  }
0x60: {  	_ =	shalt  }
0x61: {  	_ =	shalt  }
0x62: {  	_ =	shalt  }
0x63: {  	_ =	shalt  }
0x64: {  	_ =	shalt  }
0x65: {  	_ =	shalt  }
0x66: {  	_ =	shalt  }
0x67: {  	_ =	shalt  }
0x68: {  	_ =	shalt  }
0x69: {  	_ =	shalt  }
0x6a: {  	_ =	shalt  }
0x6b: {  	_ =	shalt  }
0x6c: {  	_ =	shalt  }
0x6d: {  	_ =	shalt  }
0x6e: {  	_ =	shalt  }
0x6f: {  	_ =	shalt  }
0x70: {  	_ =	shalt  }
0x71: {  	_ =	shalt  }
0x72: {  	_ =	shalt  }
0x73: {  	_ =	shalt  }
0x74: {  	_ =	shalt  }
0x75: {  	_ =	shalt  }
0x76: {  	_ =	shalt  }
0x77: {  	_ =	shalt  }
0x78: {  	_ =	shalt  }
0x79: {  	_ =	shalt  }
0x7a: {  	_ =	shalt  }
0x7b: {  	_ =	shalt  }
0x7c: {  	_ =	shalt  }
0x7d: {  	_ =	shalt  }
0x7e: {  	_ =	shalt  }
0x7f: {  	_ =	shalt  }
0x80: {  	_ =	shalt  }
0x81: {  	_ =	shalt  }
0x82: {  	_ =	shalt  }
0x83: {  	_ =	shalt  }
0x84: {  	_ =	shalt  }
0x85: {  	_ =	shalt  }
0x86: {  	_ =	shalt  }
0x87: {  	_ =	shalt  }
.Lfunc_end0:
.L_simem_size_0:
called_computation_lowered:
.L_overlay_start_0:
0x88: {  	s2 =	sld [smem:$0x3FD9]  }
0x89: {  	s3 =	sld [smem:$0x3FFE];
	_ =	sdelay $0x1  }
0x8a: {  	s1 =	srdreg.scid  }
0x8b: {  	s0 =	sand.u32 $0x1, s1  }
0x8c: {  	s16 =	sshll.u32 s0, $0xA;
	s2 =	sadd.s32 s3, s2  }
0x8d: {  	s2 =	sadd.s32 s2, s16  }
0x8e: {  	[smem:$0x3FBD] =	sst s2  }
0x8f: {  	_ = 	snop  }
0x90: {  	(tm) =	ssettm $0x1  }
0x91: {  	s17 =	sld [smem:$0x3FFB];
	_ =	sdelay $0x3  }
0x92: {  	_ =	strace s17  }
0x93: {  	s2 =	sld [smem:$0x3FFC];
	_ =	sdelay $0x3  }
0x94: {  	_ =	strace s2  }
0x95: {  	s2 =	sld [smem:$0x3FFD];
	_ =	sdelay $0x3  }
0x96: {  	_ =	strace s2  }
0x97: {  	_ =	strace $0x8FFFFFFF  }
0x98: {  	s18 =	sld [smem:$0x3FDB];
	_ =	sdelay $0x1  }
0x99: {  	s19 =	simm.s32 $_scs_section_size  }
0x9a: {  	s4 =	simm.s32 $_size__tile_overlayer_lowered;
	s5 =	simm.s32 $_tile_overlayer_lowered  }
0x9b: {  	s22 =	simm.s32 $0x1BFF;
	s21 =	sshll.u32 s5, $0x1;
	s2 =	sadd.s32 s19, s18  }
0x9c: {  	s6 =	simm.s32 $0x0;
	s20 =	sshll.u32 s4, $0x1;
	s4 =	sadd.s32 s21, s2  }
0x9d: {  	[timem:s6], [sflag:s22] =	dma.local [hbm:s4], s20  }
0x9e: {  	_ =	swait.ge [sflag:s22], s20  }
0x9f: {  	s3 =	ssub.s32 $0x0, s20;
	[sflag:s22] =	ssyncset.done $0x0  }
0xa0: {  	[sflag:s22] =	ssyncadd.s32 s3;
	_ =	sdelay $0x1  }
0xa1: {  	s23 =	simm.s32 $0x1B8B  }
0xa2: {  	_ =	swait.ge [sflag:s23], $0x1  }
0xa3: {  	[sflag:s23] =	ssyncset.done $0x0  }
0xa4: {  	s25 =	simm.s32 $0x1B8E;
	s24 =	sld [smem:$0x3FFE];
	[sflag:s23] =	ssyncadd.s32 $0xFFFFFFFF  }
0xa5: {  	s26 =	simm.s32 $execute0_lowered;
	[smem:$0x3FD2] =	sst s25  }
0xa6: {  	s4 =	sshll.u32 s26, $0x1;
	_ =	strace $0x80000046;
	[dreg:$0x1] =	wrdreg $0xFFFFFFFF  }
0xa7: {  	s28 =	simm.s32 $_size_execute0_lowered;
	s2 =	sadd.s32 s2, s4;
	[dreg:$0x0] =	wrdreg $0x0  }
0xa8: {  	s4 =	sshll.u32 s28, $0x1;
	[dreg:$0x2] =	wrdreg s2  }
0xa9: {  	[dreg:$0x3] =	wrdreg s4  }
0xaa: {  	[dreg:$0x4] =	wrdreg $0xC0  }
0xab: {  	_ =	task [dreg:s6], $0x5FFFF  }
0xac: {  	[dreg:$0x1] =	wrdreg $0xFFFFFFFF  }
0xad: {  	[dreg:$0x0] =	wrdreg $0x60  }
0xae: {  	[dreg:$0x2] =	wrdreg s24  }
0xaf: {  	[dreg:$0x3] =	wrdreg $0x9  }
0xb0: {  	_ =	task.clear_ibuf [dreg:s6], $0x4FFFF;
	_ =	strace $0x90000046  }
0xb1: {  	s29 =	simm.s32 $0x9;
	_ =	strace $0x80000048  }
0xb2: {  	_ =	swait.ge [sflag:s29], $0x1  }
0xb3: {  	[sflag:s29] =	ssyncadd.s32 $0xFFFFFFFF  }
0xb4: {  	_ =	strace $0x90000048  }
0xb5: {  	_ =	sfence  }
0xb6: {  	s30 =	sld [smem:$0x0];
	_ =	sdelay $0x2  }
0xb7: {  	s31 =	sshll.u32 s1, $0xD;
	s1 =	sshrl.u32 s1, $0x2  }
0xb8: {  	s3 =	sand.u32 $0x4000, s31;
	s1 =	sadd.s32 s1, s30  }
0xb9: {  	s0 =	sor.u32 s3, s0;
	s1 =	sshll.u32 s1, $0x11  }
0xba: {  	s0 =	sor.u32 s1, s0  }
0xbb: {  	s0 =	sadd.s32 $0x8F2B, s0  }
0xbc: {  	[sflag:s0] =	ssyncadd.remote.s32 $0x1  }
0xbd: {  	_ =	sfence.sel $0xFFFF  }
0xbe: {  	[dreg:$0x0] =	wrdreg $0xFFFFFFFF;
	(pc) =	sbr.abs _section_cstart, $3  }
0xbf: {  	[dreg:$0x1] =	wrdreg $0xFFFFFFFF  }
0xc0: {  	_ =	task.clear_ibuf [dreg:s6], $0x2FFFF;
	_ =	strace $0x9FFFFFFF  }
0xc1: {  	(tm) =	ssettm $0x7FFFFFFF  }
tec
execute0_lowered:
.L_overlay_start_1:
0x0: {  	(tag) =	ssettag $0x1  }
0x1: {  	s0 =	srdreg.scid;
	s8 =	stileid.u32  }
0x2: {  	s1 =	rddreg [dreg:$0x0];
	s2 =	simm.s32 $0x0;
	s14 =	simm.s32 $0x50  }
0x3: {  	s15 =	simm.s32 $0x4E20;
	s16 =	simm.s32 $0xB220;
	s20 =	simm.s32 $0x1  }
0x4: {  	s21 =	simm.s32 $0x3;
	s22 =	simm.s32 $0x6;
	s23 =	simm.s32 $0x8  }
0x5: {  	s24 =	simm.s32 $0x5;
	s25 =	simm.s32 $0x7;
	s0 =	sand.u32 $0x1, s0  }
0x6: {  	s3 =	sshll.u32 s8, $0x1;
	s4 =	sadd.s32 $0x17A800, s1;
	s8 =	smul.u32 $0x4E20, s8  }
0x7: {  	s7 =	sor.u32 s0, s3;
	s28 =	ssub.s32 $0x2, s0;
	s0 =	smul.u32 $0x2710, s0  }
0x8: {  	[smem:$0x7FF] =	sst s2;
	s11 =	sadd.s32 $0x184600, s1;
	s5 =	smul.u32 $0x4E2, s7  }
0x9: {  	s26 =	simm.s32 $0x0;
	_ =	strace $0x80000047;
	s10 =	smul.u32 $0x4E200, s7  }
0xa: {  	s3 =	sadd.s32 $0x170A00, s1;
	s9 =	sshrl.u32 s28, $0x1;
	s12 =	smul.u32 $0x9C40, s7  }
0xb: {  	s9 =	ssub.s32 s28, s9;
	s0 =	sadd.s32 s0, s8;
	s6 =	sadd.s32 s5, s1  }
0xc: {  	s1 =	sadd.s32 $0x2BCE00, s1;
	s31 =	sshrl.u32 s10, $0x3;
	s0 =	sshll.u32 s0, $0x2  }
0xd: {  	s9 =	smax.u32 s9, $0x1;
	s10 =	sadd.s32 s11, s12;
	s29 =	sadd.s32 $0x166C00, s6  }
0xe: {  	s30 =	sadd.s32 $0x15CE00, s6;
	s0 =	sadd.s32 $0x20000640, s0;
	[dreg:$0x4] =	wrdreg s29  }
0xf: {  	s8 =	sadd.s32 $0x9600, s31;
	[dreg:$0x5] =	wrdreg s30;
	s0 =	sand.u32 $0x7FFFC0, s0  }
0x10: {  	s7 =	sadd.s32 s11, s8;
	s8 =	sadd.s32 s1, s8;
	s13 =	sadd.s32 s0, s11  }
0x11: {  	s11 =	sadd.s32 s1, s12;
	s0 =	sadd.s32 s0, s1;
	[dreg:$0x2] =	wrdreg s13  }
0x12: {  	s12 =	simm.s32 $0x9;
	[dreg:$0x3] =	wrdreg s0;
	s13 =	simm.s32 $0x2710  }
.LBB2_1:
0x13: {  	s0 =	rddreg [dreg:$0x4]  }
0x14: {  	[tilespmem:s2], [sflag:$0x9] =	stream.linear.gather [hbm4b:s0+s2], $0x2710, $0x38;
	[tilespmem:$0x11620] =	vst v63  }
0x15: {  	_ =	swait.ge [sflag:s12], $0x2710  }
0x16: {  	[sflag:s12] =	ssyncset.done $0x0  }
0x17: {  	s6 =	rddreg [dreg:$0x5];
	[sflag:s12] =	ssyncadd.s32 $0xFFFFD8F0  }
0x18: {  	[tilespmem:s13], [sflag:$0x9] =	stream.linear.gather [hbm4b:s6+s2], $0x2710, $0x38;
	[tilespmem:$0x11620] =	vst v63  }
0x19: {  	_ =	swait.ge [sflag:s12], $0x2710  }
0x1a: {  	[sflag:s12] =	ssyncset.done $0x0  }
0x1b: {  	[sflag:s12] =	ssyncadd.s32 $0xFFFFD8F0  }
0x1c: {  	[tilespmem:s15], [sflag:$0x1] =	stream.indirect.gather [hbm4b:s3+s14], $0x20, s2, s14, $0xb8;
	[tilespmem:$0x11620] =	vst v63  }
0x1d: {  	_ = 	snop  }
0x1e: {  	[tilespmem:s16], [sflag:$0x3] =	stream.indirect.gather [hbm4b:s4+s14], $0x20, s13, s14, $0xb8;
	[tilespmem:$0x11620] =	vst v63  }
0x1f: {  	s17 =	simm.s32 $0x5820  }
0x20: {  	[tilespmem:s17], [sflag:$0x1] =	stream.indirect.gather [hbm4b:s3+s14], $0x20, s14, s14, $0xb8;
	[tilespmem:$0x11620] =	vst v63  }
0x21: {  	s18 =	simm.s32 $0x2760;
	s1 =	simm.s32 $0xBC20  }
0x22: {  	[tilespmem:s1], [sflag:$0x3] =	stream.indirect.gather [hbm4b:s4+s14], $0x20, s18, s14, $0xb8;
	[tilespmem:$0x11620] =	vst v63  }
0x23: {  	s19 =	simm.s32 $0xA0;
	s31 =	simm.s32 $0x6220  }
0x24: {  	[tilespmem:s31], [sflag:$0x1] =	stream.indirect.gather [hbm4b:s3+s14], $0x20, s19, s14, $0xb8;
	[tilespmem:$0x11620] =	vst v63  }
0x25: {  	s5 =	simm.s32 $0x27B0;
	s6 =	simm.s32 $0xC620  }
0x26: {  	[tilespmem:s6], [sflag:$0x3] =	stream.indirect.gather [hbm4b:s4+s14], $0x20, s5, s14, $0xb8;
	[tilespmem:$0x11620] =	vst v63  }
0x27: {  	s17 =	simm.s32 $0xF0;
	s18 =	simm.s32 $0x6C20  }
0x28: {  	[tilespmem:s18], [sflag:$0x1] =	stream.indirect.gather [hbm4b:s3+s14], $0x20, s17, s14, $0xb8;
	[tilespmem:$0x11620] =	vst v63  }
0x29: {  	s19 =	simm.s32 $0x2800;
	s31 =	simm.s32 $0xD020  }
0x2a: {  	[tilespmem:s31], [sflag:$0x3] =	stream.indirect.gather [hbm4b:s4+s14], $0x20, s19, s14, $0xb8;
	[tilespmem:$0x11620] =	vst v63  }
0x2b: {  	s5 =	simm.s32 $0x140;
	s6 =	simm.s32 $0x7620  }
0x2c: {  	[tilespmem:s6], [sflag:$0x1] =	stream.indirect.gather [hbm4b:s3+s14], $0x20, s5, s14, $0xb8;
	[tilespmem:$0x11620] =	vst v63  }
0x2d: {  	s17 =	simm.s32 $0x2850;
	s18 =	simm.s32 $0xDA20  }
0x2e: {  	[tilespmem:s18], [sflag:$0x3] =	stream.indirect.gather [hbm4b:s4+s14], $0x20, s17, s14, $0xb8;
	[tilespmem:$0x11620] =	vst v63  }
0x2f: {  	s19 =	simm.s32 $0x190;
	s31 =	simm.s32 $0x8020  }
0x30: {  	[tilespmem:s31], [sflag:$0x2] =	stream.indirect.gather [hbm4b:s3+s14], $0x20, s19, s14, $0xb8;
	[tilespmem:$0x11620] =	vst v63  }
0x31: {  	s5 =	simm.s32 $0x28A0;
	s6 =	simm.s32 $0xE420  }
0x32: {  	[tilespmem:s6], [sflag:$0x4] =	stream.indirect.gather [hbm4b:s4+s14], $0x20, s5, s14, $0xb8;
	[tilespmem:$0x11620] =	vst v63  }
0x33: {  	s17 =	simm.s32 $0x1E0;
	s18 =	simm.s32 $0x8A20  }
0x34: {  	[tilespmem:s18], [sflag:$0x2] =	stream.indirect.gather [hbm4b:s3+s14], $0x20, s17, s14, $0xb8;
	[tilespmem:$0x11620] =	vst v63  }
0x35: {  	s19 =	simm.s32 $0x28F0;
	s31 =	simm.s32 $0xEE20  }
0x36: {  	[tilespmem:s31], [sflag:$0x4] =	stream.indirect.gather [hbm4b:s4+s14], $0x20, s19, s14, $0xb8;
	[tilespmem:$0x11620] =	vst v63  }
0x37: {  	s5 =	simm.s32 $0x230;
	s6 =	simm.s32 $0x9420  }
0x38: {  	[tilespmem:s6], [sflag:$0x2] =	stream.indirect.gather [hbm4b:s3+s14], $0x20, s5, s14, $0xb8;
	[tilespmem:$0x11620] =	vst v63  }
0x39: {  	s17 =	simm.s32 $0x2940;
	s18 =	simm.s32 $0xF820  }
0x3a: {  	[tilespmem:s18], [sflag:$0x4] =	stream.indirect.gather [hbm4b:s4+s14], $0x20, s17, s14, $0xb8;
	[tilespmem:$0x11620] =	vst v63  }
0x3b: {  	s19 =	simm.s32 $0x280;
	s31 =	simm.s32 $0x9E20  }
0x3c: {  	[tilespmem:s31], [sflag:$0x2] =	stream.indirect.gather [hbm4b:s3+s14], $0x20, s19, s14, $0xb8;
	[tilespmem:$0x11620] =	vst v63  }
0x3d: {  	s5 =	simm.s32 $0x2990;
	s6 =	simm.s32 $0x10220  }
0x3e: {  	[tilespmem:s6], [sflag:$0x4] =	stream.indirect.gather [hbm4b:s4+s14], $0x20, s5, s14, $0xb8;
	[tilespmem:$0x11620] =	vst v63  }
0x3f: {  	s17 =	simm.s32 $0x2D0;
	s18 =	simm.s32 $0xA820  }
0x40: {  	[tilespmem:s18], [sflag:$0x2] =	stream.indirect.gather [hbm4b:s3+s14], $0x20, s17, s14, $0xb8;
	[tilespmem:$0x11620] =	vst v63  }
0x41: {  	s19 =	simm.s32 $0x29E0;
	s31 =	simm.s32 $0x10C20  }
0x42: {  	[tilespmem:s31], [sflag:$0x4] =	stream.indirect.gather [hbm4b:s4+s14], $0x20, s19, s14, $0xb8;
	[tilespmem:$0x11620] =	vst v63  }
0x43: {  	_ =	swait.ge [sflag:s20], $0x3200  }
0x44: {  	[sflag:s20] =	ssyncset.done $0x0  }
0x45: {  	[sflag:s20] =	ssyncadd.s32 $0xFFFFCE00  }
0x46: {  	_ =	swait.ge [sflag:s21], $0x3200  }
0x47: {  	s1 =	simm.s32 $0x2;
	[sflag:s21] =	ssyncset.done $0x0  }
0x48: {  	s0 =	sand.u32 $0x1, s1;
	[sflag:s21] =	ssyncadd.s32 $0xFFFFCE00  }
0x49: {  	[hbm4b:s10+s2] =	stream.linear.scatter [tilespmem:s15], [sflag:$0x5], $0x3200, $0x38;
	[tilespmem:$0x11620] =	vst v63  }
0x4a: {  	s5 =	sadd.s32 $0x5, s0  }
0x4b: {  	[hbm4b:s11+s2] =	stream.linear.scatter [tilespmem:s16], [sflag:$0x7], $0x3200, $0x38;
	[tilespmem:$0x11620] =	vst v63  }
0x4c: {  	_ =	swait.ge [sflag:s5], $0x3200  }
0x4d: {  	[sflag:s5] =	ssyncset.done $0x0  }
0x4e: {  	s6 =	sadd.s32 $0x7, s0;
	[sflag:s5] =	ssyncadd.s32 $0xFFFFCE00  }
0x4f: {  	s28 =	smul.u32 $0x3200, s0;
	_ =	swait.ge [sflag:s6], $0x3200  }
0x50: {  	s30 =	simm.s32 $0x320;
	[sflag:s6] =	ssyncset.done $0x0  }
0x51: {  	s29 =	sadd.s32 $0x1, s0;
	s17 =	sadd.s32 $0x4E20, s28;
	[sflag:s6] =	ssyncadd.s32 $0xFFFFCE00  }
0x52: {  	[tilespmem:s17], [sflag:s29] =	stream.indirect.gather [hbm4b:s3+s14], $0x20, s30, s14, $0xb8;
	[tilespmem:$0x11620] =	vst v63  }
0x53: {  	s18 =	sadd.s32 $0xB220, s28;
	s31 =	sadd.s32 $0x3, s0;
	s30 =	simm.s32 $0x2A30  }
0x54: {  	[tilespmem:s18], [sflag:s31] =	stream.indirect.gather [hbm4b:s4+s14], $0x20, s30, s14, $0xb8;
	[tilespmem:$0x11620] =	vst v63  }
0x55: {  	s19 =	sadd.s32 $0x5820, s28;
	s30 =	simm.s32 $0x370  }
0x56: {  	[tilespmem:s19], [sflag:s29] =	stream.indirect.gather [hbm4b:s3+s14], $0x20, s30, s14, $0xb8;
	[tilespmem:$0x11620] =	vst v63  }
0x57: {  	s5 =	sadd.s32 $0xBC20, s28;
	s30 =	simm.s32 $0x2A80  }
0x58: {  	[tilespmem:s5], [sflag:s31] =	stream.indirect.gather [hbm4b:s4+s14], $0x20, s30, s14, $0xb8;
	[tilespmem:$0x11620] =	vst v63  }
0x59: {  	s6 =	sadd.s32 $0x6220, s28;
	s30 =	simm.s32 $0x3C0  }
0x5a: {  	[tilespmem:s6], [sflag:s29] =	stream.indirect.gather [hbm4b:s3+s14], $0x20, s30, s14, $0xb8;
	[tilespmem:$0x11620] =	vst v63  }
0x5b: {  	s17 =	sadd.s32 $0xC620, s28;
	s30 =	simm.s32 $0x2AD0  }
0x5c: {  	[tilespmem:s17], [sflag:s31] =	stream.indirect.gather [hbm4b:s4+s14], $0x20, s30, s14, $0xb8;
	[tilespmem:$0x11620] =	vst v63  }
0x5d: {  	s18 =	sadd.s32 $0x6C20, s28;
	s30 =	simm.s32 $0x410  }
0x5e: {  	[tilespmem:s18], [sflag:s29] =	stream.indirect.gather [hbm4b:s3+s14], $0x20, s30, s14, $0xb8;
	[tilespmem:$0x11620] =	vst v63  }
0x5f: {  	s19 =	sadd.s32 $0xD020, s28;
	s30 =	simm.s32 $0x2B20  }
0x60: {  	[tilespmem:s19], [sflag:s31] =	stream.indirect.gather [hbm4b:s4+s14], $0x20, s30, s14, $0xb8;
	[tilespmem:$0x11620] =	vst v63  }
0x61: {  	s1 =	sxor.u32 $0x1, s0;
	s5 =	sadd.s32 $0x7620, s28;
	s30 =	simm.s32 $0x460  }
0x62: {  	[tilespmem:s5], [sflag:s29] =	stream.indirect.gather [hbm4b:s3+s14], $0x20, s30, s14, $0xb8;
	[tilespmem:$0x11620] =	vst v63  }
0x63: {  	s6 =	sadd.s32 $0xDA20, s28;
	s28 =	simm.s32 $0x2B70;
	s29 =	sadd.s32 $0x1, s1  }
0x64: {  	[tilespmem:s6], [sflag:s31] =	stream.indirect.gather [hbm4b:s4+s14], $0x20, s28, s14, $0xb8;
	[tilespmem:$0x11620] =	vst v63  }
0x65: {  	s30 =	smul.u32 $0x3200, s1;
	_ =	swait.ge [sflag:s29], $0x3200  }
0x66: {  	[sflag:s29] =	ssyncset.done $0x0  }
0x67: {  	s17 =	sadd.s32 $0x3, s1;
	s19 =	sadd.s32 $0x4E20, s30;
	[sflag:s29] =	ssyncadd.s32 $0xFFFFCE00  }
0x68: {  	s0 =	sadd.s32 $0xB220, s30;
	s29 =	sadd.s32 $0x5, s1;
	_ =	swait.ge [sflag:s17], $0x3200  }
0x69: {  	s1 =	sadd.s32 $0x7, s1;
	s28 =	rddreg [dreg:$0x2];
	[sflag:s17] =	ssyncset.done $0x0  }
0x6a: {  	s18 =	rddreg [dreg:$0x3];
	[sflag:s17] =	ssyncadd.s32 $0xFFFFCE00;
	s28 =	sadd.s32 $0x0, s28  }
0x6b: {  	[hbm4b:s28+s2] =	stream.linear.scatter [tilespmem:s19], [sflag:s29], $0x3200, $0x38;
	[tilespmem:$0x11620] =	vst v63  }
0x6c: {  	s30 =	sadd.s32 $0x0, s18;
	s28 =	simm.s32 $0x640;
	s29 =	simm.s32 $0x3  }
.LBB2_2:
0x6d: {  	[hbm4b:s30+s2] =	stream.linear.scatter [tilespmem:s0], [sflag:s1], $0x3200, $0x38;
	[tilespmem:$0x11620] =	vst v63  }
0x6e: {  	s17 =	sand.u32 $0x1, s29  }
0x6f: {  	s18 =	sadd.s32 $0x5, s17  }
0x70: {  	_ =	swait.ge [sflag:s18], $0x3200  }
0x71: {  	[sflag:s18] =	ssyncset.done $0x0  }
0x72: {  	s30 =	smov.u32 s28;
	s6 =	sadd.s32 $0x7, s17;
	[sflag:s18] =	ssyncadd.s32 $0xFFFFCE00  }
0x73: {  	s31 =	sxor.u32 $0x1, s17;
	s0 =	smul.u32 $0x3200, s17;
	_ =	swait.ge [sflag:s6], $0x3200  }
0x74: {  	s19 =	sshra.s32 s30, $0x2;
	s5 =	sadd.s32 $0x1, s17;
	[sflag:s6] =	ssyncset.done $0x0  }
0x75: {  	s18 =	sadd.s32 $0x4E20, s0;
	[sflag:s6] =	ssyncadd.s32 $0xFFFFCE00;
	s6 =	sadd.s32 $0x320, s19  }
0x76: {  	[tilespmem:s18], [sflag:s5] =	stream.indirect.gather [hbm4b:s3+s14], $0x20, s6, s14, $0xb8;
	[tilespmem:$0x11620] =	vst v63  }
0x77: {  	s17 =	sadd.s32 $0x3, s17;
	s6 =	sadd.s32 $0xB220, s0;
	s18 =	sadd.s32 $0x2A30, s19  }
0x78: {  	[tilespmem:s6], [sflag:s17] =	stream.indirect.gather [hbm4b:s4+s14], $0x20, s18, s14, $0xb8;
	[tilespmem:$0x11620] =	vst v63  }
0x79: {  	s6 =	sadd.s32 $0x5820, s0;
	s18 =	sadd.s32 $0x370, s19  }
0x7a: {  	[tilespmem:s6], [sflag:s5] =	stream.indirect.gather [hbm4b:s3+s14], $0x20, s18, s14, $0xb8;
	[tilespmem:$0x11620] =	vst v63  }
0x7b: {  	s6 =	sadd.s32 $0xBC20, s0;
	s18 =	sadd.s32 $0x2A80, s19  }
0x7c: {  	[tilespmem:s6], [sflag:s17] =	stream.indirect.gather [hbm4b:s4+s14], $0x20, s18, s14, $0xb8;
	[tilespmem:$0x11620] =	vst v63  }
0x7d: {  	s6 =	sadd.s32 $0x6220, s0;
	s18 =	sadd.s32 $0x3C0, s19  }
0x7e: {  	[tilespmem:s6], [sflag:s5] =	stream.indirect.gather [hbm4b:s3+s14], $0x20, s18, s14, $0xb8;
	[tilespmem:$0x11620] =	vst v63  }
0x7f: {  	s6 =	sadd.s32 $0xC620, s0;
	s18 =	sadd.s32 $0x2AD0, s19  }
0x80: {  	[tilespmem:s6], [sflag:s17] =	stream.indirect.gather [hbm4b:s4+s14], $0x20, s18, s14, $0xb8;
	[tilespmem:$0x11620] =	vst v63  }
0x81: {  	s6 =	sadd.s32 $0x6C20, s0;
	s18 =	sadd.s32 $0x410, s19  }
0x82: {  	[tilespmem:s6], [sflag:s5] =	stream.indirect.gather [hbm4b:s3+s14], $0x20, s18, s14, $0xb8;
	[tilespmem:$0x11620] =	vst v63  }
0x83: {  	s6 =	sadd.s32 $0xD020, s0;
	s18 =	sadd.s32 $0x2B20, s19  }
0x84: {  	[tilespmem:s6], [sflag:s17] =	stream.indirect.gather [hbm4b:s4+s14], $0x20, s18, s14, $0xb8;
	[tilespmem:$0x11620] =	vst v63  }
0x85: {  	s6 =	sadd.s32 $0x7620, s0;
	s18 =	sadd.s32 $0x460, s19  }
0x86: {  	[tilespmem:s6], [sflag:s5] =	stream.indirect.gather [hbm4b:s3+s14], $0x20, s18, s14, $0xb8;
	[tilespmem:$0x11620] =	vst v63  }
0x87: {  	s0 =	sadd.s32 $0xDA20, s0;
	s18 =	sadd.s32 $0x2B70, s19;
	s19 =	sadd.s32 $0x1, s31  }
0x88: {  	[tilespmem:s0], [sflag:s17] =	stream.indirect.gather [hbm4b:s4+s14], $0x20, s18, s14, $0xb8;
	[tilespmem:$0x11620] =	vst v63  }
0x89: {  	p0 =	sne.s32 s28, $0x8980;
	_ =	swait.ge [sflag:s19], $0x3200  }
0x8a: {  	s28 =	sadd.s32 $0x640, s28;
	s29 =	sadd.s32 $0x1, s29;
	[sflag:s19] =	ssyncset.done $0x0  }
0x8b: {  	s1 =	smul.u32 $0x3200, s31;
	s5 =	sadd.s32 $0x3, s31;
	[sflag:s19] =	ssyncadd.s32 $0xFFFFCE00  }
.Ltmp0:
0x8c: {  	s18 =	sadd.s32 $0x5, s31;
	_ =	swait.ge [sflag:s5], $0x3200;
	(pc) =	sbr.rel @p0 .LBB2_2-.Ltmp0, $4  }
0x8d: {  	s0 =	sadd.s32 $0xB220, s1;
	s19 =	sadd.s32 $0x4E20, s1;
	s17 =	rddreg [dreg:$0x2]  }
0x8e: {  	s1 =	sadd.s32 $0x7, s31;
	s6 =	rddreg [dreg:$0x3];
	[sflag:s5] =	ssyncset.done $0x0  }
0x8f: {  	[sflag:s5] =	ssyncadd.s32 $0xFFFFCE00;
	s5 =	sadd.s32 s30, s17;
	s30 =	sadd.s32 s30, s6  }
0x90: {  	[hbm4b:s5+s2] =	stream.linear.scatter [tilespmem:s19], [sflag:s18], $0x3200, $0x38;
	[tilespmem:$0x11620] =	vst v63  }
0x91: {  	[hbm4b:s30+s2] =	stream.linear.scatter [tilespmem:s0], [sflag:s1], $0x3200, $0x38;
	[tilespmem:$0x11620] =	vst v63  }
0x92: {  	_ =	swait.ge [sflag:s20], $0x3200  }
0x93: {  	[sflag:s20] =	ssyncset.done $0x0  }
0x94: {  	[sflag:s20] =	ssyncadd.s32 $0xFFFFCE00  }
0x95: {  	_ =	swait.ge [sflag:s21], $0x3200  }
0x96: {  	[sflag:s21] =	ssyncset.done $0x0  }
0x97: {  	[sflag:s21] =	ssyncadd.s32 $0xFFFFCE00  }
0x98: {  	[hbm4b:s7+s2] =	stream.linear.scatter [tilespmem:s15], [sflag:$0x5], $0x3200, $0x38;
	[tilespmem:$0x11620] =	vst v63  }
0x99: {  	_ = 	snop  }
0x9a: {  	[hbm4b:s8+s2] =	stream.linear.scatter [tilespmem:s16], [sflag:$0x7], $0x3200, $0x38;
	[tilespmem:$0x11620] =	vst v63  }
0x9b: {  	_ =	swait.ge [sflag:s22], $0x3200  }
0x9c: {  	[sflag:s22] =	ssyncset.done $0x0  }
0x9d: {  	[sflag:s22] =	ssyncadd.s32 $0xFFFFCE00  }
0x9e: {  	_ =	swait.ge [sflag:s23], $0x3200  }
0x9f: {  	[sflag:s23] =	ssyncset.done $0x0  }
0xa0: {  	s26 =	sadd.s32 $0x1, s26;
	[sflag:s23] =	ssyncadd.s32 $0xFFFFCE00  }
0xa1: {  	p0 =	sne.s32 s26, s9;
	_ =	swait.ge [sflag:s24], $0x3200  }
.Ltmp1:
0xa2: {  	[sflag:s24] =	ssyncset.done $0x0;
	(pc) =	sbr.rel @p0 .LBB2_1-.Ltmp1, $4  }
0xa3: {  	[sflag:s24] =	ssyncadd.s32 $0xFFFFCE00  }
0xa4: {  	_ =	swait.ge [sflag:s25], $0x3200  }
0xa5: {  	[sflag:s25] =	ssyncset.done $0x0  }
0xa6: {  	[sflag:s25] =	ssyncadd.s32 $0xFFFFCE00  }
0xa7: {  	_ =	sfence.sel $0x180000  }
0xa8: {  	[bflag:$0x0] =	sbarrier.arrive $0xFFFF  }
0xa9: {  	_ =	strace $0x90000047  }
0xaa: {  	s0 =	stileid.u32;
	[bflag:$0x2] =	sbarrier.arrive $0xFFFF  }
0xab: {  	p0 =	sne.s32 s0, $0x0;
	s0 =	rddreg [dreg:$0x1]  }
0xac: {  	s0 =	sadd.s32 @!p0 $0x100000, s0  }
0xad: {  	[sflag:s0] =	ssyncadd.tile.s32 @!p0 $0x1;
	_ =	shalt  }
.Lfunc_end2:
_tile_overlayer_lowered:
.L_overlay_start_2:
0xae: {  	(tag) =	ssettag $0x2  }
0xaf: {  	s0 =	rddreg [dreg:$0x0];
	s2 =	stileid.u32  }
0xb0: {  	s1 =	rddreg [dreg:$0x1];
	p0 =	sne.s32 s2, $0x0  }
0xb1: {  	s3 =	rddreg [dreg:$0x2];
	[bflag:$0x3] =	sbarrier.arrive $0xFFFF;
	s2 =	simm.s32 @!p0 $0x1C09  }
0xb2: {  	[timem:s3], [sflag:s2] =	dma.local @!p0 [hbm:s0], s1  }
0xb3: {  	s0 =	simm.s32 @!p0 $0x9  }
0xb4: {  	_ =	swait.ge @!p0 [sflag:s0], s1  }
0xb5: {  	s1 =	ssub.s32 @!p0 $0x0, s1;
	[sflag:s0] =	ssyncset.done @!p0 $0x0  }
0xb6: {  	[sflag:s0] =	ssyncadd.s32 @!p0 s1  }
0xb7: {  	[bflag:$0x3] =	sbarrier.arrive $0xFFFF  }
0xb8: {  	_ =	shalt  }

// kernel: closed_call.36.cloned.1.call-start
scs
__scs_entry_jumppad:
0x0: {  	(pc) =	sbr.rel $0x88, $3  }
0x1: {  	(tag) =	ssettag $0x0;
	lr =	simm.s32 $0x1  }
0x2: {  	[smem:$0x3F96] =	sst lr;
	_ =	strace $0xD0000000  }
0x3: {  	_ = 	snop  }
0x4: {  	_ = 	snop  }
0x5: {  	_ = 	snop  }
0x6: {  	_ = 	snop  }
0x7: {  	_ = 	snop  }
__scs_overlays_trampoline_lowered:
0x8: {  	[smem:$0x3FA5] =	sst s0  }
0x9: {  	[smem:$0x3FA6] =	sst s1  }
0xa: {  	[smem:$0x3FA7] =	sst s2  }
0xb: {  	[smem:$0x3FA8] =	sst s3  }
0xc: {  	[smem:$0x3FA9] =	sst s4  }
0xd: {  	[smem:$0x3FAA] =	sst s5  }
0xe: {  	[smem:$0x3FAB] =	sst s6  }
0xf: {  	[smem:$0x3FAC] =	sst s7  }
0x10: {  	[smem:$0x3FAD] =	sst s8  }
0x11: {  	[smem:$0x3FAE] =	sst s9;
	s0 =	simm.s32 @!p0 $0x0  }
0x12: {  	s1 =	sld [smem:$0x3F94];
	s0 =	simm.s32 @p0 $0x1  }
0x13: {  	[smem:$0x3FAF] =	sst s0;
	s0 =	simm.s32 @!p1 $0x0  }
0x14: {  	s2 =	sld [smem:$0x3F93];
	s0 =	simm.s32 @p1 $0x1  }
0x15: {  	[smem:$0x3FB0] =	sst s0;
	s0 =	simm.s32 @!p2 $0x0  }
0x16: {  	s3 =	sld [smem:$0x3FDB];
	s0 =	simm.s32 @p2 $0x1  }
0x17: {  	s4 =	simm.s32 $0x1BF5;
	[smem:$0x3FB2] =	sst s0  }
0x18: {  	s0 =	sld [smem:$0x3F95];
	_ =	swait.ge [sflag:s4], $0x0  }
0x19: {  	s7 =	sld [smem:$0x3F96]  }
0x1a: {  	s8 =	sadd.s32 $0xFFFFE003, lr  }
0x1b: {  	s9 =	sadd.s32 $0xFFFFFEF7, lr;
	s5 =	simm.s32 $0xFFFFFFFF;
	p2 =	slt.u32 s8, $0xFFFFF086  }
0x1c: {  	p1 =	slt.u32 s9, $0xF7A;
	s5 =	simm.s32 @!p2 $0x0  }
0x1d: {  	s5 =	simm.s32 @p1 $0x1;
	p0 =	seq.s32 s7, s2  }
0x1e: {  	s7 =	smul.u32 @!p0 $0xF7A, s2;
	p2 =	seq.s32 @!p0 s5, $0x0  }
0x1f: {  	s9 =	smul.u32 $0xF7A, s1;
	s8 =	simm.s32 @!p0 $0x1BF5;
	p2 =	por !p2, p0  }
0x20: {  	[sflag:s8] =	ssyncset.s32 @!p0 $0xFFFFF086;
	s6 =	sadd.s32 @!p0 s3, s7;
	s7 =	simm.s32 @!p0 $0x108  }
0x21: {  	s3 =	sadd.s32 s3, s9;
	s6 =	sadd.s32 @!p0 $0x88, s6;
	s7 =	simm.s32 @p2 $0x1082  }
0x22: {  	[simem:s7], [sflag:s8] =	dma.local @!p0 [hbm:s6], $0xF7A  }
0x23: {  	s9 =	sor.u32 $0xD0000000, s2;
	s6 =	simm.s32 $0x108;
	_ =	swait.ge @!p0 [sflag:s8], $0x0  }
0x24: {  	s3 =	sadd.s32 $0x88, s3;
	s6 =	simm.s32 @!p1 $0x1082;
	[sflag:s4] =	ssyncset.s32 $0xFFFFF086  }
0x25: {  	[simem:s6], [sflag:s4] =	dma.local [hbm:s3], $0xF7A  }
0x26: {  	[smem:$0x3F96] =	sst s1;
	(tag) =	ssettag s2;
	_ =	strace s9  }
0x27: {  	s1 =	sld [smem:$0x3FA6]  }
0x28: {  	s2 =	sld [smem:$0x3FA7]  }
0x29: {  	s4 =	sld [smem:$0x3FA9]  }
0x2a: {  	p0 =	seq.s32 s5, $0x0;
	s5 =	sld [smem:$0x3FAA]  }
0x2b: {  	s6 =	sld [smem:$0x3FAB]  }
0x2c: {  	s7 =	sld [smem:$0x3FAC]  }
0x2d: {  	s3 =	simm.s32 $0x108;
	s8 =	sld [smem:$0x3FAD]  }
0x2e: {  	s3 =	simm.s32 @!p0 $0x1082;
	s9 =	sld [smem:$0x3FAE]  }
0x2f: {  	lr =	sadd.s32 s0, s3;
	s0 =	sld [smem:$0x3FA5]  }
0x30: {  	s3 =	sld [smem:$0x3FA8]  }
0x31: {  	[smem:$0x3FB1] =	sst s10  }
0x32: {  	s10 =	sld [smem:$0x3FAF];
	_ =	sdelay $0x3  }
0x33: {  	p0 =	seq.s32 s10, $0x1;
	s10 =	sld [smem:$0x3FB1];
	_ =	sdelay $0x3  }
0x34: {  	[smem:$0x3FB1] =	sst s10  }
0x35: {  	s10 =	sld [smem:$0x3FB0];
	_ =	sdelay $0x3  }
0x36: {  	p1 =	seq.s32 s10, $0x1;
	s10 =	sld [smem:$0x3FB1];
	_ =	sdelay $0x3  }
0x37: {  	[smem:$0x3FB1] =	sst s10  }
0x38: {  	s10 =	sld [smem:$0x3FB2]  }
0x39: {  	_ = 	snop;
	(pc) =	sbr.ind lr, $3  }
0x3a: {  	_ = 	snop  }
0x3b: {  	_ = 	snop  }
0x3c: {  	p2 =	seq.s32 s10, $0x1;
	s10 =	sld [smem:$0x3FB1]  }
0x3d: {  	_ =	shalt  }
0x3e: {  	_ =	shalt  }
0x3f: {  	_ =	shalt  }
0x40: {  	_ =	shalt  }
0x41: {  	_ =	shalt  }
0x42: {  	_ =	shalt  }
0x43: {  	_ =	shalt  }
0x44: {  	_ =	shalt  }
0x45: {  	_ =	shalt  }
0x46: {  	_ =	shalt  }
0x47: {  	_ =	shalt  }
0x48: {  	_ =	shalt  }
0x49: {  	_ =	shalt  }
0x4a: {  	_ =	shalt  }
0x4b: {  	_ =	shalt  }
0x4c: {  	_ =	shalt  }
0x4d: {  	_ =	shalt  }
0x4e: {  	_ =	shalt  }
0x4f: {  	_ =	shalt  }
0x50: {  	_ =	shalt  }
0x51: {  	_ =	shalt  }
0x52: {  	_ =	shalt  }
0x53: {  	_ =	shalt  }
0x54: {  	_ =	shalt  }
0x55: {  	_ =	shalt  }
0x56: {  	_ =	shalt  }
0x57: {  	_ =	shalt  }
0x58: {  	_ =	shalt  }
0x59: {  	_ =	shalt  }
0x5a: {  	_ =	shalt  }
0x5b: {  	_ =	shalt  }
0x5c: {  	_ =	shalt  }
0x5d: {  	_ =	shalt  }
0x5e: {  	_ =	shalt  }
0x5f: {  	_ =	shalt  }
0x60: {  	_ =	shalt  }
0x61: {  	_ =	shalt  }
0x62: {  	_ =	shalt  }
0x63: {  	_ =	shalt  }
0x64: {  	_ =	shalt  }
0x65: {  	_ =	shalt  }
0x66: {  	_ =	shalt  }
0x67: {  	_ =	shalt  }
0x68: {  	_ =	shalt  }
0x69: {  	_ =	shalt  }
0x6a: {  	_ =	shalt  }
0x6b: {  	_ =	shalt  }
0x6c: {  	_ =	shalt  }
0x6d: {  	_ =	shalt  }
0x6e: {  	_ =	shalt  }
0x6f: {  	_ =	shalt  }
0x70: {  	_ =	shalt  }
0x71: {  	_ =	shalt  }
0x72: {  	_ =	shalt  }
0x73: {  	_ =	shalt  }
0x74: {  	_ =	shalt  }
0x75: {  	_ =	shalt  }
0x76: {  	_ =	shalt  }
0x77: {  	_ =	shalt  }
0x78: {  	_ =	shalt  }
0x79: {  	_ =	shalt  }
0x7a: {  	_ =	shalt  }
0x7b: {  	_ =	shalt  }
0x7c: {  	_ =	shalt  }
0x7d: {  	_ =	shalt  }
0x7e: {  	_ =	shalt  }
0x7f: {  	_ =	shalt  }
0x80: {  	_ =	shalt  }
0x81: {  	_ =	shalt  }
0x82: {  	_ =	shalt  }
0x83: {  	_ =	shalt  }
0x84: {  	_ =	shalt  }
0x85: {  	_ =	shalt  }
0x86: {  	_ =	shalt  }
0x87: {  	_ =	shalt  }
.Lfunc_end0:
.L_simem_size_0:
called_computation.1_lowered:
.L_overlay_start_0:
0x88: {  	s2 =	sld [smem:$0x3FD9]  }
0x89: {  	s3 =	sld [smem:$0x3FFE];
	_ =	sdelay $0x1  }
0x8a: {  	s1 =	srdreg.scid  }
0x8b: {  	s0 =	sand.u32 $0x1, s1  }
0x8c: {  	s16 =	sshll.u32 s0, $0xA;
	s2 =	sadd.s32 s3, s2  }
0x8d: {  	s2 =	sadd.s32 s2, s16  }
0x8e: {  	[smem:$0x3FBD] =	sst s2  }
0x8f: {  	_ = 	snop  }
0x90: {  	(tm) =	ssettm $0x1  }
0x91: {  	s17 =	sld [smem:$0x3FFB];
	_ =	sdelay $0x3  }
0x92: {  	_ =	strace s17  }
0x93: {  	s2 =	sld [smem:$0x3FFC];
	_ =	sdelay $0x3  }
0x94: {  	_ =	strace s2  }
0x95: {  	s2 =	sld [smem:$0x3FFD];
	_ =	sdelay $0x3  }
0x96: {  	_ =	strace s2  }
0x97: {  	_ =	strace $0x8FFFFFFF  }
0x98: {  	s18 =	sld [smem:$0x3FDB];
	_ =	sdelay $0x1  }
0x99: {  	s19 =	simm.s32 $_scs_section_size  }
0x9a: {  	s4 =	simm.s32 $_size__tile_overlayer_lowered;
	s5 =	simm.s32 $_tile_overlayer_lowered  }
0x9b: {  	s22 =	simm.s32 $0x1BFF;
	s21 =	sshll.u32 s5, $0x1;
	s2 =	sadd.s32 s19, s18  }
0x9c: {  	s6 =	simm.s32 $0x0;
	s20 =	sshll.u32 s4, $0x1;
	s4 =	sadd.s32 s21, s2  }
0x9d: {  	[timem:s6], [sflag:s22] =	dma.local [hbm:s4], s20  }
0x9e: {  	_ =	swait.ge [sflag:s22], s20  }
0x9f: {  	s3 =	ssub.s32 $0x0, s20;
	[sflag:s22] =	ssyncset.done $0x0  }
0xa0: {  	[sflag:s22] =	ssyncadd.s32 s3;
	_ =	sdelay $0x1  }
0xa1: {  	s23 =	simm.s32 $0x1B8B  }
0xa2: {  	_ =	swait.ge [sflag:s23], $0x1  }
0xa3: {  	[sflag:s23] =	ssyncset.done $0x0  }
0xa4: {  	s25 =	simm.s32 $0x1B8E;
	s24 =	sld [smem:$0x3FFE];
	[sflag:s23] =	ssyncadd.s32 $0xFFFFFFFF  }
0xa5: {  	s26 =	simm.s32 $execute0_lowered;
	[smem:$0x3FD2] =	sst s25  }
0xa6: {  	s4 =	sshll.u32 s26, $0x1;
	_ =	strace $0x80000049;
	[dreg:$0x1] =	wrdreg $0xFFFFFFFF  }
0xa7: {  	s28 =	simm.s32 $_size_execute0_lowered;
	s2 =	sadd.s32 s2, s4;
	[dreg:$0x0] =	wrdreg $0x0  }
0xa8: {  	s4 =	sshll.u32 s28, $0x1;
	[dreg:$0x2] =	wrdreg s2  }
0xa9: {  	[dreg:$0x3] =	wrdreg s4  }
0xaa: {  	[dreg:$0x4] =	wrdreg $0xC0  }
0xab: {  	_ =	task [dreg:s6], $0x5FFFF  }
0xac: {  	[dreg:$0x1] =	wrdreg $0xFFFFFFFF  }
0xad: {  	[dreg:$0x0] =	wrdreg $0x60  }
0xae: {  	[dreg:$0x2] =	wrdreg s24  }
0xaf: {  	[dreg:$0x3] =	wrdreg $0x0  }
0xb0: {  	[dreg:$0x4] =	wrdreg $0x9  }
0xb1: {  	_ =	task.clear_ibuf [dreg:s6], $0x5FFFF;
	_ =	strace $0x90000049  }
0xb2: {  	s29 =	simm.s32 $0x9;
	_ =	strace $0x8000004B  }
0xb3: {  	_ =	swait.ge [sflag:s29], $0x1  }
0xb4: {  	[sflag:s29] =	ssyncadd.s32 $0xFFFFFFFF  }
0xb5: {  	_ =	strace $0x9000004B  }
0xb6: {  	_ =	sfence  }
0xb7: {  	s30 =	sld [smem:$0x0];
	_ =	sdelay $0x2  }
0xb8: {  	s31 =	sshll.u32 s1, $0xD;
	s1 =	sshrl.u32 s1, $0x2  }
0xb9: {  	s3 =	sand.u32 $0x4000, s31;
	s1 =	sadd.s32 s1, s30  }
0xba: {  	s0 =	sor.u32 s3, s0;
	s1 =	sshll.u32 s1, $0x11  }
0xbb: {  	s0 =	sor.u32 s1, s0  }
0xbc: {  	s0 =	sadd.s32 $0x8F2B, s0  }
0xbd: {  	[sflag:s0] =	ssyncadd.remote.s32 $0x1  }
0xbe: {  	_ =	sfence.sel $0xFFFF  }
0xbf: {  	[dreg:$0x0] =	wrdreg $0xFFFFFFFF;
	(pc) =	sbr.abs _section_cstart, $3  }
0xc0: {  	[dreg:$0x1] =	wrdreg $0xFFFFFFFF  }
0xc1: {  	_ =	task.clear_ibuf [dreg:s6], $0x2FFFF;
	_ =	strace $0x9FFFFFFF  }
0xc2: {  	(tm) =	ssettm $0x7FFFFFFF  }
0xc3: {  	_ =	shalt  }
tec
execute0_lowered:
.L_overlay_start_1:
0x0: {  	(tag) =	ssettag $0x1  }
0x1: {  	s0 =	srdreg.scid;
	s4 =	rddreg [dreg:$0x0]  }
0x2: {  	s8 =	stileid.u32;
	s1 =	rddreg [dreg:$0x1];
	s2 =	simm.s32 $0x0  }
0x3: {  	s10 =	simm.s32 $0x2;
	s11 =	simm.s32 $0x50;
	s12 =	simm.s32 $0x1  }
0x4: {  	s13 =	simm.s32 $0x0;
	s3 =	sand.u32 $0x1, s0;
	s30 =	sshll.u32 s8, $0x1  }
0x5: {  	s0 =	rddreg [dreg:$0x2];
	s5 =	sor.u32 s3, s30;
	s7 =	smul.u32 $0x2710, s3  }
0x6: {  	[smem:$0x7FF] =	sst s2;
	p0 =	sne.s32 s8, $0x0;
	s6 =	smul.u32 $0x2710, s5  }
0x7: {  	_ =	strace $0x8000004A;
	s9 =	ssub.s32 $0x2, s3;
	s5 =	smul.u32 $0x4E2, s5  }
0x8: {  	s3 =	sadd.s32 $0x1BEC00, s4;
	s8 =	sshrl.u32 @!p0 s1, $0x3;
	s31 =	sshrl.u32 s9, $0x1  }
0x9: {  	s7 =	sadd.s32 s7, s4;
	s6 =	sadd.s32 s6, s4;
	s5 =	sadd.s32 s5, s4  }
0xa: {  	s9 =	ssub.s32 s9, s31;
	s4 =	sadd.s32 $0x15CE00, s5;
	s5 =	sadd.s32 $0x170A00, s6  }
0xb: {  	s6 =	sadd.s32 $0x1C1400, s7;
	s7 =	smax.u32 s9, $0x1;
	s9 =	simm.s32 $0x1388  }
.LBB2_1:
0xc: {  	s14 =	simm.s32 @!p0 $0x1C02  }
0xd: {  	[spmem:s8], [sflag:s14] =	dma.local @!p0 [hbm:s3], $0x2710  }
0xe: {  	s14 =	simm.s32 @!p0 $0x2  }
0xf: {  	_ =	swait.ge @!p0 [sflag:s14], $0x2710  }
0x10: {  	[sflag:s14] =	ssyncset.done @!p0 $0x0  }
0x11: {  	[sflag:s14] =	ssyncadd.s32 @!p0 $0xFFFFD8F0  }
0x12: {  	[tilespmem:s9], [sflag:$0x2] =	stream.linear.gather [hbm4b:s4+s2], $0x2710, $0x38;
	[tilespmem:$0x17318] =	vst v63  }
0x13: {  	_ =	swait.ge [sflag:s10], $0x2710  }
0x14: {  	[sflag:s10] =	ssyncset.done $0x0  }
0x15: {  	s14 =	simm.s32 $0x3A98;
	[sflag:s10] =	ssyncadd.s32 $0xFFFFD8F0  }
0x16: {  	[tilespmem:s14], [sflag:$0x2] =	stream.linear.gather [hbm4b:s5+s2], $0x13880, $0x38;
	[tilespmem:$0x17318] =	vst v63  }
0x17: {  	_ =	swait.ge [sflag:s10], $0x13880  }
0x18: {  	[sflag:s10] =	ssyncset.done $0x0  }
0x19: {  	[sflag:s10] =	ssyncadd.s32 $0xFFFEC780  }
0x1a: {  	s15 =	simm.s32 $0x1388;
	[bflag:$0x0] =	sbarrier.arrive $0xFFFF  }
0x1b: {  	[spmem:s1] =	stream.indirect.scatter.add.f32 [tilespmem:s14], [sflag:$0x1], $0x8, s15, s11, $0xb8;
	[tilespmem:$0x17318] =	vst v63  }
0x1c: {  	s15 =	simm.s32 $0x140  }
.LBB2_2:
0x1d: {  	p1 =	sne.s32 s15, $0x9B00  }
.Ltmp0:
0x1e: {  	_ = 	snop;
	(pc) =	sbr.rel @p1 .LBB2_2-.Ltmp0, $4  }
0x1f: {  	_ = 	snop  }
0x20: {  	s16 =	sshra.s32 s15, $0x2;
	s15 =	sadd.s32 $0x140, s15  }
0x21: {  	s14 =	sadd.s32 $0x280, s14;
	s16 =	sadd.s32 $0x1388, s16  }
0x22: {  	[spmem:s1] =	stream.indirect.scatter.add.f32 [tilespmem:s14], [sflag:$0x1], $0x8, s16, s11, $0xb8;
	[tilespmem:$0x17318] =	vst v63  }
0x23: {  	_ =	swait.ge [sflag:s12], $0x13880  }
0x24: {  	[sflag:s12] =	ssyncset.done $0x0  }
0x25: {  	s13 =	sadd.s32 $0x1, s13;
	[sflag:s12] =	ssyncadd.s32 $0xFFFEC780  }
0x26: {  	s14 =	simm.s32 @!p0 $0x1C02;
	p1 =	sne.s32 s13, s7;
	[bflag:$0x0] =	sbarrier.arrive $0xFFFF  }
0x27: {  	[hbm:s6], [sflag:s14] =	dma.local @!p0 [spmem:s8], $0x2710  }
.Ltmp1:
0x28: {  	_ = 	snop;
	(pc) =	sbr.rel @p1 .LBB2_1-.Ltmp1, $4  }
0x29: {  	s14 =	simm.s32 @!p0 $0x2  }
0x2a: {  	_ =	swait.ge @!p0 [sflag:s14], $0x2710  }
0x2b: {  	[sflag:s14] =	ssyncset.done @!p0 $0x0  }
0x2c: {  	[sflag:s14] =	ssyncadd.s32 @!p0 $0xFFFFD8F0  }
0x2d: {  	_ =	sfence.sel $0x180000  }
0x2e: {  	[bflag:$0x0] =	sbarrier.arrive $0xFFFF  }
0x2f: {  	_ =	strace $0x9000004A  }
0x30: {  	s0 =	sadd.s32 @!p0 $0x100000, s0;
	[bflag:$0x2] =	sbarrier.arrive $0xFFFF  }
0x31: {  	[sflag:s0] =	ssyncadd.tile.s32 @!p0 $0x1;
	_ =	shalt  }
.Lfunc_end2:
_tile_overlayer_lowered:
.L_overlay_start_2:
0x32: {  	(tag) =	ssettag $0x2  }
0x33: {  	s0 =	rddreg [dreg:$0x0];
	s2 =	stileid.u32  }
0x34: {  	s1 =	rddreg [dreg:$0x1];
	p0 =	sne.s32 s2, $0x0  }
0x35: {  	s3 =	rddreg [dreg:$0x2];
	[bflag:$0x3] =	sbarrier.arrive $0xFFFF;
	s2 =	simm.s32 @!p0 $0x1C02  }
0x36: {  	[timem:s3], [sflag:s2] =	dma.local @!p0 [hbm:s0], s1  }
0x37: {  	s0 =	simm.s32 @!p0 $0x2  }
0x38: {  	_ =	swait.ge @!p0 [sflag:s0], s1  }
0x39: {  	s1 =	ssub.s32 @!p0 $0x0, s1;
	[sflag:s0] =	ssyncset.done @!p0 $0x0  }
0x3a: {  	[sflag:s0] =	ssyncadd.s32 @!p0 s1  }
0x3b: {  	[bflag:$0x3] =	sbarrier.arrive $0xFFFF  }
0x3c: {  	_ =	shalt  }

</sc_bundles>
